<compile_context>
chip_gen: v7x
topology: tpu7x:2x2x1
jax: 0.10.2.dev20260603
libtpu: 0.0.44.dev20260713+nightly
codegen_flags: <defaults>
</compile_context>

<pallas_src>
import functools

import jax
import jax.numpy as jnp
from jax import lax
from jax.experimental import pallas as pl
from jax.experimental.pallas import tpu as pltpu
from jax.experimental.pallas import tpu_sc as plsc

_CONF_THRE = 0.01
_NMS_THRE = 0.65
_MAX_DET = 100

_B = 8
_N = 20000
_NPAD = 20480
_NSHARD = 4
_SHARD = _NPAD // _NSHARD
_K_TARGET = 512
_CAP = 256
_CAPPAD = _CAP + 16
_KW = _NSHARD * _CAP
_SEARCH_ITERS = 16
_NEG_INF = float("-inf")


def _thresh_body(pred_ref, t_ref, act_ref, score_ref):
    obj = pred_ref[4]
    c0 = pred_ref[5]
    c1 = pred_ref[6]
    score = obj * jnp.maximum(c0, c1)
    score_ref[...] = score
    act_total = jnp.sum((score >= _CONF_THRE).astype(jnp.int32), axis=1,
                        keepdims=True)

    def body(i, lohi):
        lo, hi = lohi
        mid = (lo + hi) * 0.5
        cnt = jnp.sum((score_ref[...] >= mid).astype(jnp.int32), axis=1,
                      keepdims=True)
        le = cnt <= _K_TARGET
        return (jnp.where(le, lo, mid), jnp.where(le, mid, hi))

    lo0 = jnp.full((_B, 1), _CONF_THRE, jnp.float32)
    hi0 = jnp.full((_B, 1), 1.0, jnp.float32)
    _, hi = lax.fori_loop(0, _SEARCH_ITERS, body, (lo0, hi0))
    t = jnp.where(act_total <= _K_TARGET, _CONF_THRE, hi)
    t_ref[...] = jnp.broadcast_to(t, (_B, 128))
    act_ref[...] = jnp.broadcast_to(act_total, (_B, 128))


def _compact_body(pred_hbm, t_hbm, comp_hbm, cnt_hbm, in_v, t_v, o0, o1, o2,
                  o3, o4, cnt_v):
    outs = (o0, o1, o2, o3, o4)
    wid = lax.axis_index("s") * 2 + lax.axis_index("c")
    img = wid // _NSHARD
    sh = wid % _NSHARD

    pltpu.sync_copy(pred_hbm.at[:, img, pl.ds(sh * _SHARD, _SHARD)], in_v)
    pltpu.sync_copy(t_hbm.at[img, pl.ds(0, 16)], t_v)
    tvec = t_v[...]

    zeros = jnp.zeros((16,), jnp.float32)
    ninf = jnp.full((16,), _NEG_INF, jnp.float32)

    def init_body(i, c):
        for p in range(4):
            outs[p][pl.ds(i * 16, 16)] = zeros
        o4[pl.ds(i * 16, 16)] = ninf
        return c

    lax.fori_loop(0, _CAPPAD // 16, init_body, 0)

    def chunk(i, off):
        s = i * 16
        cx = in_v[0, pl.ds(s, 16)]
        cy = in_v[1, pl.ds(s, 16)]
        w = in_v[2, pl.ds(s, 16)]
        h = in_v[3, pl.ds(s, 16)]
        obj = in_v[4, pl.ds(s, 16)]
        c0 = in_v[5, pl.ds(s, 16)]
        c1 = in_v[6, pl.ds(s, 16)]
        score = obj * jnp.maximum(c0, c1)
        m = score >= tvec
        cnt = plsc.all_reduce_population_count(m)[0]

        @pl.when(off <= _CAP)
        def _():
            plsc.store_compressed(o0.at[pl.ds(off, 16)], cx - w * 0.5, mask=m)
            plsc.store_compressed(o1.at[pl.ds(off, 16)], cy - h * 0.5, mask=m)
            plsc.store_compressed(o2.at[pl.ds(off, 16)], cx + w * 0.5, mask=m)
            plsc.store_compressed(o3.at[pl.ds(off, 16)], cy + h * 0.5, mask=m)
            plsc.store_compressed(o4.at[pl.ds(off, 16)], score, mask=m)

        return off + cnt

    off = lax.fori_loop(0, _SHARD // 16, chunk, jnp.int32(0))
    cnt_v[...] = jnp.full((16,), off, jnp.int32)
    for p in range(5):
        pltpu.sync_copy(outs[p].at[pl.ds(0, _CAP)],
                        comp_hbm.at[p, img, pl.ds(sh * _CAP, _CAP)])
    pltpu.sync_copy(cnt_v, cnt_hbm.at[img, pl.ds(sh * 16, 16)])


_compact = functools.partial(
    pl.kernel,
    out_type=[
        jax.ShapeDtypeStruct((5, _B, _KW), jnp.float32),
        jax.ShapeDtypeStruct((_B, _NSHARD * 16), jnp.int32),
    ],
    mesh=plsc.VectorSubcoreMesh(core_axis_name="c", subcore_axis_name="s"),
    compiler_params=pltpu.CompilerParams(needs_layout_passes=False),
    scratch_types=[
        pltpu.VMEM((7, _SHARD), jnp.float32),
        pltpu.VMEM((16,), jnp.float32),
        pltpu.VMEM((_CAPPAD,), jnp.float32),
        pltpu.VMEM((_CAPPAD,), jnp.float32),
        pltpu.VMEM((_CAPPAD,), jnp.float32),
        pltpu.VMEM((_CAPPAD,), jnp.float32),
        pltpu.VMEM((_CAPPAD,), jnp.float32),
        pltpu.VMEM((16,), jnp.int32),
    ],
)(_compact_body)


def _nms_loop(x1_ref, y1_ref, x2_ref, y2_ref, area_ref, ms_ref, out_ref,
              width):
    iota = lax.broadcasted_iota(jnp.int32, (_B, width), 1)

    def body(i, kept):
        ms = ms_ref[:, :width]
        m = jnp.max(ms, axis=1, keepdims=True)
        valid = m > _NEG_INF
        is_max = ms == m
        idx = jnp.min(jnp.where(is_max, iota, width), axis=1, keepdims=True)
        onehot = iota == idx

        bx1 = x1_ref[:, :width]
        by1 = y1_ref[:, :width]
        bx2 = x2_ref[:, :width]
        by2 = y2_ref[:, :width]

        sx1 = jnp.max(jnp.where(onehot, bx1, _NEG_INF), axis=1, keepdims=True)
        sy1 = jnp.max(jnp.where(onehot, by1, _NEG_INF), axis=1, keepdims=True)
        sx2 = jnp.max(jnp.where(onehot, bx2, _NEG_INF), axis=1, keepdims=True)
        sy2 = jnp.max(jnp.where(onehot, by2, _NEG_INF), axis=1, keepdims=True)

        ix1 = jnp.maximum(sx1, bx1)
        iy1 = jnp.maximum(sy1, by1)
        ix2 = jnp.minimum(sx2, bx2)
        iy2 = jnp.minimum(sy2, by2)
        inter = jnp.clip(ix2 - ix1, 0.0) * jnp.clip(iy2 - iy1, 0.0)
        sarea = jnp.clip(sx2 - sx1, 0.0) * jnp.clip(sy2 - sy1, 0.0)
        iou = inter / (sarea + area_ref[:, :width] - inter + 1e-9)
        sup = (iou > _NMS_THRE) | onehot

        ms_ref[:, :width] = jnp.where(valid & sup, _NEG_INF, ms)

        row = jnp.concatenate([sx1, sy1, sx2, sy2, m], axis=1)
        out_ref[i] = jnp.where(valid, row, 0.0)
        return kept + valid.astype(jnp.int32)

    return lax.fori_loop(0, _MAX_DET, body, jnp.zeros((_B, 1), jnp.int32))


def _nms_fast_body(comp_ref, cnt_ref, act_ref, pred_ref, out_ref, x1_ref,
                   y1_ref, x2_ref, y2_ref, area_ref, ms_ref, p32_ref,
                   farea_ref, fms_ref, stage_ref, dma_sem):
    cx1 = comp_ref[0]
    cy1 = comp_ref[1]
    cx2 = comp_ref[2]
    cy2 = comp_ref[3]
    p32_ref[0:8] = cx1
    p32_ref[8:16] = cy1
    p32_ref[16:24] = cx2
    p32_ref[24:32] = cy2
    farea_ref[...] = jnp.clip(cx2 - cx1, 0.0) * jnp.clip(cy2 - cy1, 0.0)
    fms_ref[...] = comp_ref[4]

    iota = lax.broadcasted_iota(jnp.int32, (_B, _KW), 1)

    def body(i, kept):
        ms = fms_ref[...]
        m = jnp.max(ms, axis=1, keepdims=True)
        valid = m > _NEG_INF
        is_max = ms == m
        oh = iota == jnp.min(jnp.where(is_max, iota, _KW), axis=1,
                             keepdims=True)
        oh32 = jnp.concatenate([oh, oh, oh, oh], axis=0)
        sel = jnp.max(jnp.where(oh32, p32_ref[...], _NEG_INF), axis=1,
                      keepdims=True)
        sx1 = sel[0:8]
        sy1 = sel[8:16]
        sx2 = sel[16:24]
        sy2 = sel[24:32]

        bx1 = p32_ref[0:8]
        by1 = p32_ref[8:16]
        bx2 = p32_ref[16:24]
        by2 = p32_ref[24:32]

        ix1 = jnp.maximum(sx1, bx1)
        iy1 = jnp.maximum(sy1, by1)
        ix2 = jnp.minimum(sx2, bx2)
        iy2 = jnp.minimum(sy2, by2)
        inter = jnp.clip(ix2 - ix1, 0.0) * jnp.clip(iy2 - iy1, 0.0)
        sarea = jnp.clip(sx2 - sx1, 0.0) * jnp.clip(sy2 - sy1, 0.0)
        iou = inter / (sarea + farea_ref[...] - inter + 1e-9)
        fms_ref[...] = jnp.where(valid & (iou > _NMS_THRE), _NEG_INF, ms)

        row = jnp.concatenate([sx1, sy1, sx2, sy2, m], axis=1)
        out_ref[i] = jnp.where(valid, row, 0.0)
        return kept + valid.astype(jnp.int32)

    kept = lax.fori_loop(0, _MAX_DET, body, jnp.zeros((_B, 1), jnp.int32))

    counts = cnt_ref[...]
    overflow = jnp.max(counts) > _CAP
    comp_total = jnp.sum(jnp.minimum(counts, _CAP), axis=1,
                         keepdims=True) // 16
    act_total = act_ref[:, 0:1]
    deficit = (kept < _MAX_DET) & (act_total > comp_total)
    need_full = overflow | jnp.any(deficit)

    @pl.when(need_full)
    def _():
        copy = pltpu.make_async_copy(pred_ref, stage_ref, dma_sem)
        copy.start()
        copy.wait()
        cx = stage_ref[0]
        cy = stage_ref[1]
        w = stage_ref[2]
        h = stage_ref[3]
        obj = stage_ref[4]
        c0 = stage_ref[5]
        c1 = stage_ref[6]
        x1 = cx - w / 2.0
        y1 = cy - h / 2.0
        x2 = cx + w / 2.0
        y2 = cy + h / 2.0
        score = obj * jnp.maximum(c0, c1)
        x1_ref[...] = x1
        y1_ref[...] = y1
        x2_ref[...] = x2
        y2_ref[...] = y2
        area_ref[...] = jnp.clip(x2 - x1, 0.0) * jnp.clip(y2 - y1, 0.0)
        ms_ref[...] = jnp.where(score >= _CONF_THRE, score, _NEG_INF)
        _nms_loop(x1_ref, y1_ref, x2_ref, y2_ref, area_ref, ms_ref, out_ref,
                  _NPAD)


def kernel(prediction):
    pred_t = jnp.transpose(prediction, (2, 0, 1))
    pred_t = jnp.pad(pred_t, ((0, 0), (0, 0), (0, _NPAD - _N)))

    t, act = pl.pallas_call(
        _thresh_body,
        out_shape=[
            jax.ShapeDtypeStruct((_B, 128), jnp.float32),
            jax.ShapeDtypeStruct((_B, 128), jnp.int32),
        ],
        scratch_shapes=[pltpu.VMEM((_B, _NPAD), jnp.float32)],
    )(pred_t)

    comp, cnts = _compact(pred_t, t)

    out = pl.pallas_call(
        _nms_fast_body,
        out_shape=jax.ShapeDtypeStruct((_MAX_DET, _B, 5), jnp.float32),
        in_specs=[
            pl.BlockSpec(memory_space=pltpu.VMEM),
            pl.BlockSpec(memory_space=pltpu.VMEM),
            pl.BlockSpec(memory_space=pltpu.VMEM),
            pl.BlockSpec(memory_space=pl.ANY),
        ],
        scratch_shapes=[pltpu.VMEM((_B, _NPAD), jnp.float32)
                        for _ in range(6)]
                       + [pltpu.VMEM((32, _KW), jnp.float32),
                          pltpu.VMEM((_B, _KW), jnp.float32),
                          pltpu.VMEM((_B, _KW), jnp.float32),
                          pltpu.VMEM((7, _B, _NPAD), jnp.float32),
                          pltpu.SemaphoreType.DMA],
    )(comp, cnts, act, pred_t)
    return jnp.transpose(out, (1, 0, 2))

# --- scband reference (transcript-rebuilt; emitter-appended) ---
"""Pipeline reference for scband-detection-47459388620825 (READ-ONLY COPY).

The authoritative reference and input builder live on the scoring server;
editing this copy changes nothing except your own understanding.
"""

import jax, jax.numpy as jnp
import numpy as np

NUM_CLASSES = 2
CONF_THRE = 0.01
NMS_THRE = 0.65
MAX_DET = 100


def setup_inputs(seed: int = 0) -> dict:
    key = jax.random.key(seed)
    base = jax.random.uniform(key, (8, 20000, 5 + NUM_CLASSES), dtype=jnp.float32)
    # scale to plausible decoded YOLOX outputs on a 240x180 frame
    cxcy = base[..., :2] * jnp.array([240.0, 180.0], dtype=jnp.float32)
    wh = base[..., 2:4] * 40.0 + 1.0
    obj = base[..., 4:5]
    cls = base[..., 5:]
    prediction = jnp.concatenate([cxcy, wh, obj, cls], axis=-1)
    return {"prediction": prediction}


def _iou_one_vs_all(box, boxes):
    x1 = jnp.maximum(box[0], boxes[:, 0])
    y1 = jnp.maximum(box[1], boxes[:, 1])
    x2 = jnp.minimum(box[2], boxes[:, 2])
    y2 = jnp.minimum(box[3], boxes[:, 3])
    inter = jnp.clip(x2 - x1, 0.0) * jnp.clip(y2 - y1, 0.0)
    a1 = jnp.clip(box[2] - box[0], 0.0) * jnp.clip(box[3] - box[1], 0.0)
    a2 = jnp.clip(boxes[:, 2] - boxes[:, 0], 0.0) * jnp.clip(boxes[:, 3] - boxes[:, 1], 0.0)
    return inter / (a1 + a2 - inter + 1e-9)


def _nms_single(boxes, scores):
    # greedy NMS, faithful to torchvision-style nms used in Detection.postprocess
    N = boxes.shape[0]
    active = scores >= CONF_THRE

    def body(i, state):
        active, out = state
        ms = jnp.where(active, scores, -jnp.inf)
        idx = jnp.argmax(ms)
        valid = ms[idx] > -jnp.inf
        sel_box = boxes[idx]
        row = jnp.where(valid,
                        jnp.concatenate([sel_box, scores[idx][None]]),
                        jnp.zeros(5, boxes.dtype))
        out = out.at[i].set(row)
        ious = _iou_one_vs_all(sel_box, boxes)
        suppress = (ious > NMS_THRE) | (jnp.arange(N) == idx)
        active = active & jnp.where(valid, ~suppress, jnp.ones(N, dtype=bool))
        return (active, out)

    out0 = jnp.zeros((MAX_DET, 5), boxes.dtype)
    _, out = jax.lax.fori_loop(0, MAX_DET, body, (active, out0))
    return out


def reference(prediction):
    # Detection.postprocess: cxcywh -> xyxy, score = obj * max cls conf,
    # confidence threshold, per-image class-agnostic greedy NMS.
    tl = prediction[..., :2] - prediction[..., 2:4] / 2.0
    br = prediction[..., :2] + prediction[..., 2:4] / 2.0
    boxes = jnp.concatenate([tl, br], axis=-1)
    obj = prediction[..., 4]
    class_conf = jnp.max(prediction[..., 5:], axis=-1)
    score = obj * class_conf
    out = jax.vmap(_nms_single)(boxes, score)  # [B, MAX_DET, 5] = x1,y1,x2,y2,score
    return out

if __name__ == "__main__":
    import jax
    _d = setup_inputs()
    print(jax.jit(kernel)(*tuple(_d.values())))

</pallas_src>

<mosaic_0001>
#map = affine_map<(d0, d1) -> (0, 0, 0)>
#map1 = affine_map<(d0, d1) -> (0, 0)>
module attributes {stable_mosaic.version = 14 : i64} {
  func.func @_compact_body(%arg0: i32, %arg1: i32, %arg2: memref<7x8x20480xf32, #tpu.memory_space<hbm>>, %arg3: memref<8x128xf32, #tpu.memory_space<hbm>>, %arg4: memref<5x8x1024xf32, #tpu.memory_space<hbm>>, %arg5: memref<8x64xi32, #tpu.memory_space<hbm>>, %arg6: memref<7x5120xf32, #tpu.memory_space<vmem>>, %arg7: memref<16xf32, #tpu.memory_space<vmem>>, %arg8: memref<272xf32, #tpu.memory_space<vmem>>, %arg9: memref<272xf32, #tpu.memory_space<vmem>>, %arg10: memref<272xf32, #tpu.memory_space<vmem>>, %arg11: memref<272xf32, #tpu.memory_space<vmem>>, %arg12: memref<272xf32, #tpu.memory_space<vmem>>, %arg13: memref<16xi32, #tpu.memory_space<vmem>>) attributes {dimension_semantics = [#tpu.dimension_semantics<core_parallel>, #tpu.dimension_semantics<subcore_parallel>], iteration_bounds = array<i64: 2, 16>, scalar_prefetch = 0 : i64, scratch_operands = 8 : i64, tpu.core_type = #tpu.core_type<sc_vector_subcore>, window_params = [{transform_indices = #map}, {transform_indices = #map1}, {transform_indices = #map}, {transform_indices = #map1}]} {
    %mul3A = arith.constant 2 : i32
    %mul3A_0 = arith.muli %arg1, %mul3A : i32
    %add3A = arith.addi %mul3A_0, %arg0 : i32
    %jit3A = arith.constant 4 : i32
    %div3A = arith.divsi %add3A, %jit3A : i32
    %sign3A = arith.constant 0 : i32
    %sign3A_1 = arith.cmpi sgt, %add3A, %sign3A : i32
    %sign3A_2 = arith.extui %sign3A_1 : i1 to i32
    %sign3A_3 = arith.constant 0 : i32
    %sign3A_4 = arith.cmpi slt, %add3A, %sign3A_3 : i32
    %sign3A_5 = arith.extui %sign3A_4 : i1 to i32
    %sign3A_6 = arith.subi %sign3A_2, %sign3A_5 : i32
    %sign3A_7 = arith.constant 0 : i32
    %sign3A_8 = arith.cmpi sgt, %jit3A, %sign3A_7 : i32
    %sign3A_9 = arith.extui %sign3A_8 : i1 to i32
    %sign3A_10 = arith.constant 0 : i32
    %sign3A_11 = arith.cmpi slt, %jit3A, %sign3A_10 : i32
    %sign3A_12 = arith.extui %sign3A_11 : i1 to i32
    %sign3A_13 = arith.subi %sign3A_9, %sign3A_12 : i32
    %ne3A = arith.cmpi ne, %sign3A_6, %sign3A_13 : i32
    %rem3A = arith.remsi %add3A, %jit3A : i32
    %ne3A_14 = arith.constant 0 : i32
    %ne3A_15 = arith.cmpi ne, %rem3A, %ne3A_14 : i32
    %and3A = arith.andi %ne3A, %ne3A_15 : i1
    %sub3A = arith.constant 1 : i32
    %sub3A_16 = arith.subi %div3A, %sub3A : i32
    %select_n3A = arith.select %and3A, %sub3A_16, %div3A : i32
    %jit3A_17 = arith.constant 4 : i32
    %eq3A = arith.constant 0 : i32
    %eq3A_18 = arith.cmpi eq, %jit3A_17, %eq3A : i32
    %jit3A_19 = arith.constant 1 : i32
    %select_n3A_20 = arith.select %eq3A_18, %jit3A_19, %jit3A_17 : i32
    %rem3A_21 = arith.remsi %add3A, %select_n3A_20 : i32
    %ne3A_22 = arith.constant 0 : i32
    %ne3A_23 = arith.cmpi ne, %rem3A_21, %ne3A_22 : i32
    %lt3A = arith.constant 0 : i32
    %lt3A_24 = arith.cmpi slt, %rem3A_21, %lt3A : i32
    %lt3A_25 = arith.constant 0 : i32
    %lt3A_26 = arith.cmpi slt, %select_n3A_20, %lt3A_25 : i32
    %ne3A_27 = arith.xori %lt3A_24, %lt3A_26 : i1
    %and3A_28 = arith.andi %ne3A_27, %ne3A_23 : i1
    %add3A_29 = arith.addi %rem3A_21, %select_n3A_20 : i32
    %select_n3A_30 = arith.select %and3A_28, %add3A_29, %rem3A_21 : i32
    %mul3A_31 = arith.constant 5120 : i32
    %mul3A_32 = arith.muli %select_n3A_30, %mul3A_31 : i32
    "tpu.region"() ({
      %run_scoped3A_67 = tpu.sem_alloc : memref<!tpu.dma_semaphore, #tpu.memory_space<semaphore_mem>>
      %dma_start3A = arith.constant 0 : i32
      %dma_start3A_68 = tpu.memref_slice %arg2[%dma_start3A, %select_n3A, %mul3A_32] : memref<7x8x20480xf32, #tpu.memory_space<hbm>> -> memref<7x1x5120xf32, #tpu.memory_space<hbm>>
      %dma_start3A_69 = tpu.memref_squeeze %dma_start3A_68 : memref<7x1x5120xf32, #tpu.memory_space<hbm>> -> memref<7x5120xf32, #tpu.memory_space<hbm>>
      %dma_start3A_70 = arith.constant 0 : i32
      %dma_start3A_71 = tpu.memref_slice %arg2[%dma_start3A_70, %select_n3A, %mul3A_32] : memref<7x8x20480xf32, #tpu.memory_space<hbm>> -> memref<7x1x5120xf32, #tpu.memory_space<hbm>>
      %dma_start3A_72 = tpu.memref_squeeze %dma_start3A_71 : memref<7x1x5120xf32, #tpu.memory_space<hbm>> -> memref<7x5120xf32, #tpu.memory_space<hbm>>
      tpu.enqueue_dma source(%dma_start3A_72 : memref<7x5120xf32, #tpu.memory_space<hbm>>) target(%arg6 : memref<7x5120xf32, #tpu.memory_space<vmem>>) target_semaphore(%run_scoped3A_67 : memref<!tpu.dma_semaphore, #tpu.memory_space<semaphore_mem>>)
      %dma_wait3A = arith.constant 0 : i32
      %dma_wait3A_73 = tpu.memref_slice %arg2[%dma_wait3A, %select_n3A, %mul3A_32] : memref<7x8x20480xf32, #tpu.memory_space<hbm>> -> memref<7x1x5120xf32, #tpu.memory_space<hbm>>
      %dma_wait3A_74 = tpu.memref_squeeze %dma_wait3A_73 : memref<7x1x5120xf32, #tpu.memory_space<hbm>> -> memref<7x5120xf32, #tpu.memory_space<hbm>>
      %dma_wait3A_75 = arith.constant 0 : i32
      %dma_wait3A_76 = tpu.memref_slice %arg2[%dma_wait3A_75, %select_n3A, %mul3A_32] : memref<7x8x20480xf32, #tpu.memory_space<hbm>> -> memref<7x1x5120xf32, #tpu.memory_space<hbm>>
      %dma_wait3A_77 = tpu.memref_squeeze %dma_wait3A_76 : memref<7x1x5120xf32, #tpu.memory_space<hbm>> -> memref<7x5120xf32, #tpu.memory_space<hbm>>
      tpu.wait_dma2 semaphore(%run_scoped3A_67 : memref<!tpu.dma_semaphore, #tpu.memory_space<semaphore_mem>>) src(%dma_wait3A_77 : memref<7x5120xf32, #tpu.memory_space<hbm>>) dst(%arg6 : memref<7x5120xf32, #tpu.memory_space<vmem>>)
      tpu.yield
    }) : () -> ()
    "tpu.region"() ({
      %run_scoped3A_67 = tpu.sem_alloc : memref<!tpu.dma_semaphore, #tpu.memory_space<semaphore_mem>>
      %dma_start3A = arith.constant 0 : i32
      %dma_start3A_68 = tpu.memref_slice %arg3[%select_n3A, %dma_start3A] : memref<8x128xf32, #tpu.memory_space<hbm>> -> memref<1x16xf32, #tpu.memory_space<hbm>>
      %dma_start3A_69 = tpu.memref_squeeze %dma_start3A_68 : memref<1x16xf32, #tpu.memory_space<hbm>> -> memref<16xf32, #tpu.memory_space<hbm>>
      %dma_start3A_70 = arith.constant 0 : i32
      %dma_start3A_71 = tpu.memref_slice %arg3[%select_n3A, %dma_start3A_70] : memref<8x128xf32, #tpu.memory_space<hbm>> -> memref<1x16xf32, #tpu.memory_space<hbm>>
      %dma_start3A_72 = tpu.memref_squeeze %dma_start3A_71 : memref<1x16xf32, #tpu.memory_space<hbm>> -> memref<16xf32, #tpu.memory_space<hbm>>
      tpu.enqueue_dma source(%dma_start3A_72 : memref<16xf32, #tpu.memory_space<hbm>>) target(%arg7 : memref<16xf32, #tpu.memory_space<vmem>>) target_semaphore(%run_scoped3A_67 : memref<!tpu.dma_semaphore, #tpu.memory_space<semaphore_mem>>)
      %dma_wait3A = arith.constant 0 : i32
      %dma_wait3A_73 = tpu.memref_slice %arg3[%select_n3A, %dma_wait3A] : memref<8x128xf32, #tpu.memory_space<hbm>> -> memref<1x16xf32, #tpu.memory_space<hbm>>
      %dma_wait3A_74 = tpu.memref_squeeze %dma_wait3A_73 : memref<1x16xf32, #tpu.memory_space<hbm>> -> memref<16xf32, #tpu.memory_space<hbm>>
      %dma_wait3A_75 = arith.constant 0 : i32
      %dma_wait3A_76 = tpu.memref_slice %arg3[%select_n3A, %dma_wait3A_75] : memref<8x128xf32, #tpu.memory_space<hbm>> -> memref<1x16xf32, #tpu.memory_space<hbm>>
      %dma_wait3A_77 = tpu.memref_squeeze %dma_wait3A_76 : memref<1x16xf32, #tpu.memory_space<hbm>> -> memref<16xf32, #tpu.memory_space<hbm>>
      tpu.wait_dma2 semaphore(%run_scoped3A_67 : memref<!tpu.dma_semaphore, #tpu.memory_space<semaphore_mem>>) src(%dma_wait3A_77 : memref<16xf32, #tpu.memory_space<hbm>>) dst(%arg7 : memref<16xf32, #tpu.memory_space<vmem>>)
      tpu.yield
    }) : () -> ()
    %get3A = arith.constant 0 : index
    %get3A_33 = tpu.vector_load %arg7[%get3A] {strides = array<i32>} : memref<16xf32, #tpu.memory_space<vmem>>, vector<16xf32>,
    %broadcast_in_dim3A = arith.constant 0.000000e+00 : f32
    %broadcast_in_dim3A_34 = vector.broadcast %broadcast_in_dim3A : f32 to vector<16xf32>
    %broadcast_in_dim3A_35 = arith.constant 0xFF800000 : f32
    %broadcast_in_dim3A_36 = vector.broadcast %broadcast_in_dim3A_35 : f32 to vector<16xf32>
    %scan3A = arith.constant 0 : i32
    %scan3A_37 = arith.constant 0 : i32
    %scan3A_38 = arith.constant 17 : i32
    %scan3A_39 = arith.addi %scan3A_37, %scan3A_38 : i32
    %scan3A_40 = arith.constant 1 : i32
    scf.for %scan3A_67 = %scan3A_37 to %scan3A_39 step %scan3A_40  : i32 {
      %mul3A_68 = arith.constant 16 : i32
      %mul3A_69 = arith.muli %scan3A_67, %mul3A_68 : i32
      %swap3A_70 = arith.index_cast %mul3A_69 : i32 to index
      %swap3A_71 = tpu.vector_load %arg8[%swap3A_70] {strides = array<i32>} : memref<272xf32, #tpu.memory_space<vmem>>, vector<16xf32>,
      tpu.vector_store %arg8[%swap3A_70], %broadcast_in_dim3A_34 {strides = array<i32>} : memref<272xf32, #tpu.memory_space<vmem>>, vector<16xf32>,
      %mul3A_72 = arith.constant 16 : i32
      %mul3A_73 = arith.muli %scan3A_67, %mul3A_72 : i32
      %swap3A_74 = arith.index_cast %mul3A_73 : i32 to index
      %swap3A_75 = tpu.vector_load %arg9[%swap3A_74] {strides = array<i32>} : memref<272xf32, #tpu.memory_space<vmem>>, vector<16xf32>,
      tpu.vector_store %arg9[%swap3A_74], %broadcast_in_dim3A_34 {strides = array<i32>} : memref<272xf32, #tpu.memory_space<vmem>>, vector<16xf32>,
      %mul3A_76 = arith.constant 16 : i32
      %mul3A_77 = arith.muli %scan3A_67, %mul3A_76 : i32
      %swap3A_78 = arith.index_cast %mul3A_77 : i32 to index
      %swap3A_79 = tpu.vector_load %arg10[%swap3A_78] {strides = array<i32>} : memref<272xf32, #tpu.memory_space<vmem>>, vector<16xf32>,
      tpu.vector_store %arg10[%swap3A_78], %broadcast_in_dim3A_34 {strides = array<i32>} : memref<272xf32, #tpu.memory_space<vmem>>, vector<16xf32>,
      %mul3A_80 = arith.constant 16 : i32
      %mul3A_81 = arith.muli %scan3A_67, %mul3A_80 : i32
      %swap3A_82 = arith.index_cast %mul3A_81 : i32 to index
      %swap3A_83 = tpu.vector_load %arg11[%swap3A_82] {strides = array<i32>} : memref<272xf32, #tpu.memory_space<vmem>>, vector<16xf32>,
      tpu.vector_store %arg11[%swap3A_82], %broadcast_in_dim3A_34 {strides = array<i32>} : memref<272xf32, #tpu.memory_space<vmem>>, vector<16xf32>,
      %mul3A_84 = arith.constant 16 : i32
      %mul3A_85 = arith.muli %scan3A_67, %mul3A_84 : i32
      %swap3A_86 = arith.index_cast %mul3A_85 : i32 to index
      %swap3A_87 = tpu.vector_load %arg12[%swap3A_86] {strides = array<i32>} : memref<272xf32, #tpu.memory_space<vmem>>, vector<16xf32>,
      tpu.vector_store %arg12[%swap3A_86], %broadcast_in_dim3A_36 {strides = array<i32>} : memref<272xf32, #tpu.memory_space<vmem>>, vector<16xf32>,
    }
    %scan3A_41 = arith.constant 17 : i32
    %scan3A_42 = arith.constant 0 : i32
    %scan3A_43 = arith.constant 0 : i32
    %scan3A_44 = arith.constant 320 : i32
    %scan3A_45 = arith.addi %scan3A_43, %scan3A_44 : i32
    %scan3A_46 = arith.constant 1 : i32
    %scan3A_47 = scf.for %scan3A_67 = %scan3A_43 to %scan3A_45 step %scan3A_46 iter_args(%scan3A_68 = %scan3A_42) -> (i32)  : i32 {
      %mul3A_69 = arith.constant 16 : i32
      %mul3A_70 = arith.muli %scan3A_67, %mul3A_69 : i32
      %get3A_71 = arith.constant 0 : i32
      %get3A_72 = arith.index_cast %get3A_71 : i32 to index
      %get3A_73 = arith.index_cast %mul3A_70 : i32 to index
      %get3A_74 = tpu.vector_load %arg6[%get3A_72, %get3A_73] {strides = array<i32>} : memref<7x5120xf32, #tpu.memory_space<vmem>>, vector<16xf32>,
      %get3A_75 = arith.constant 1 : i32
      %get3A_76 = arith.index_cast %get3A_75 : i32 to index
      %get3A_77 = arith.index_cast %mul3A_70 : i32 to index
      %get3A_78 = tpu.vector_load %arg6[%get3A_76, %get3A_77] {strides = array<i32>} : memref<7x5120xf32, #tpu.memory_space<vmem>>, vector<16xf32>,
      %get3A_79 = arith.constant 2 : i32
      %get3A_80 = arith.index_cast %get3A_79 : i32 to index
      %get3A_81 = arith.index_cast %mul3A_70 : i32 to index
      %get3A_82 = tpu.vector_load %arg6[%get3A_80, %get3A_81] {strides = array<i32>} : memref<7x5120xf32, #tpu.memory_space<vmem>>, vector<16xf32>,
      %get3A_83 = arith.constant 3 : i32
      %get3A_84 = arith.index_cast %get3A_83 : i32 to index
      %get3A_85 = arith.index_cast %mul3A_70 : i32 to index
      %get3A_86 = tpu.vector_load %arg6[%get3A_84, %get3A_85] {strides = array<i32>} : memref<7x5120xf32, #tpu.memory_space<vmem>>, vector<16xf32>,
      %get3A_87 = arith.constant 4 : i32
      %get3A_88 = arith.index_cast %get3A_87 : i32 to index
      %get3A_89 = arith.index_cast %mul3A_70 : i32 to index
      %get3A_90 = tpu.vector_load %arg6[%get3A_88, %get3A_89] {strides = array<i32>} : memref<7x5120xf32, #tpu.memory_space<vmem>>, vector<16xf32>,
      %get3A_91 = arith.constant 5 : i32
      %get3A_92 = arith.index_cast %get3A_91 : i32 to index
      %get3A_93 = arith.index_cast %mul3A_70 : i32 to index
      %get3A_94 = tpu.vector_load %arg6[%get3A_92, %get3A_93] {strides = array<i32>} : memref<7x5120xf32, #tpu.memory_space<vmem>>, vector<16xf32>,
      %get3A_95 = arith.constant 6 : i32
      %get3A_96 = arith.index_cast %get3A_95 : i32 to index
      %get3A_97 = arith.index_cast %mul3A_70 : i32 to index
      %get3A_98 = tpu.vector_load %arg6[%get3A_96, %get3A_97] {strides = array<i32>} : memref<7x5120xf32, #tpu.memory_space<vmem>>, vector<16xf32>,
      %max3A = arith.maximumf %get3A_94, %get3A_98 : vector<16xf32>
      %mul3A_99 = arith.mulf %get3A_90, %max3A : vector<16xf32>
      %ge3A = arith.cmpf oge, %mul3A_99, %get3A_33 : vector<16xf32>
      %all_reduce_population_count3A = tpu.all_reduce %ge3A {dim = 0 : i64, kind = #tpu.reduction_kind<sum>} : vector<16xi1> -> vector<16xi32>
      %slice3A = vector.extract_strided_slice %all_reduce_population_count3A {offsets = [0], sizes = [1], strides = [1]} : vector<16xi32> to vector<1xi32>
      %squeeze3A = vector.extract %slice3A[0] : i32 from vector<1xi32>
      %le3A = arith.constant 256 : i32
      %le3A_100 = arith.cmpi sle, %scan3A_68, %le3A : i32
      %convert_element_type3A = arith.extui %le3A_100 : i1 to i32
      %cond3A = arith.constant 0 : i32
      %cond3A_101 = arith.cmpi ne, %convert_element_type3A, %cond3A : i32
      scf.if %cond3A_101 {
        %mul3A_103 = arith.constant 5.000000e-01 : f32
        %mul3A_104 = vector.broadcast %mul3A_103 : f32 to vector<16xf32>
        %mul3A_105 = arith.mulf %get3A_82, %mul3A_104 : vector<16xf32>
        %sub3A_106 = arith.subf %get3A_74, %mul3A_105 : vector<16xf32>
        %swap3A_107 = arith.index_cast %scan3A_68 : i32 to index
        %swap3A_108 = tpu.vector_load %arg8[%swap3A_107] masked %ge3A {strides = array<i32>} : memref<272xf32, #tpu.memory_space<vmem>>, vector<16xf32>, vector<16xi1>
        tpu.vector_store %arg8[%swap3A_107], %sub3A_106 masked %ge3A {strides = array<i32>} : memref<272xf32, #tpu.memory_space<vmem>>, vector<16xf32>, vector<16xi1>
        %mul3A_109 = arith.constant 5.000000e-01 : f32
        %mul3A_110 = vector.broadcast %mul3A_109 : f32 to vector<16xf32>
        %mul3A_111 = arith.mulf %get3A_86, %mul3A_110 : vector<16xf32>
        %sub3A_112 = arith.subf %get3A_78, %mul3A_111 : vector<16xf32>
        %swap3A_113 = arith.index_cast %scan3A_68 : i32 to index
        %swap3A_114 = tpu.vector_load %arg9[%swap3A_113] masked %ge3A {strides = array<i32>} : memref<272xf32, #tpu.memory_space<vmem>>, vector<16xf32>, vector<16xi1>
        tpu.vector_store %arg9[%swap3A_113], %sub3A_112 masked %ge3A {strides = array<i32>} : memref<272xf32, #tpu.memory_space<vmem>>, vector<16xf32>, vector<16xi1>
        %mul3A_115 = arith.constant 5.000000e-01 : f32
        %mul3A_116 = vector.broadcast %mul3A_115 : f32 to vector<16xf32>
        %mul3A_117 = arith.mulf %get3A_82, %mul3A_116 : vector<16xf32>
        %add3A_118 = arith.addf %get3A_74, %mul3A_117 : vector<16xf32>
        %swap3A_119 = arith.index_cast %scan3A_68 : i32 to index
        %swap3A_120 = tpu.vector_load %arg10[%swap3A_119] masked %ge3A {strides = array<i32>} : memref<272xf32, #tpu.memory_space<vmem>>, vector<16xf32>, vector<16xi1>
        tpu.vector_store %arg10[%swap3A_119], %add3A_118 masked %ge3A {strides = array<i32>} : memref<272xf32, #tpu.memory_space<vmem>>, vector<16xf32>, vector<16xi1>
        %mul3A_121 = arith.constant 5.000000e-01 : f32
        %mul3A_122 = vector.broadcast %mul3A_121 : f32 to vector<16xf32>
        %mul3A_123 = arith.mulf %get3A_86, %mul3A_122 : vector<16xf32>
        %add3A_124 = arith.addf %get3A_78, %mul3A_123 : vector<16xf32>
        %swap3A_125 = arith.index_cast %scan3A_68 : i32 to index
        %swap3A_126 = tpu.vector_load %arg11[%swap3A_125] masked %ge3A {strides = array<i32>} : memref<272xf32, #tpu.memory_space<vmem>>, vector<16xf32>, vector<16xi1>
        tpu.vector_store %arg11[%swap3A_125], %add3A_124 masked %ge3A {strides = array<i32>} : memref<272xf32, #tpu.memory_space<vmem>>, vector<16xf32>, vector<16xi1>
        %swap3A_127 = arith.index_cast %scan3A_68 : i32 to index
        %swap3A_128 = tpu.vector_load %arg12[%swap3A_127] masked %ge3A {strides = array<i32>} : memref<272xf32, #tpu.memory_space<vmem>>, vector<16xf32>, vector<16xi1>
        tpu.vector_store %arg12[%swap3A_127], %mul3A_99 masked %ge3A {strides = array<i32>} : memref<272xf32, #tpu.memory_space<vmem>>, vector<16xf32>, vector<16xi1>
      } else {
      }
      %add3A_102 = arith.addi %scan3A_68, %squeeze3A : i32
      scf.yield %add3A_102 : i32
    }
    %scan3A_48 = arith.constant 320 : i32
    %broadcast_in_dim3A_49 = vector.broadcast %scan3A_47 : i32 to vector<16xi32>
    %swap3A = arith.constant 0 : index
    %swap3A_50 = tpu.vector_load %arg13[%swap3A] {strides = array<i32>} : memref<16xi32, #tpu.memory_space<vmem>>, vector<16xi32>,
    tpu.vector_store %arg13[%swap3A], %broadcast_in_dim3A_49 {strides = array<i32>} : memref<16xi32, #tpu.memory_space<vmem>>, vector<16xi32>,
    %mul3A_51 = arith.constant 256 : i32
    %mul3A_52 = arith.muli %select_n3A_30, %mul3A_51 : i32
    %run_scoped3A = arith.constant 0 : i32
    "tpu.region"() ({
      %run_scoped3A_67 = tpu.sem_alloc : memref<!tpu.dma_semaphore, #tpu.memory_space<semaphore_mem>>
      %dma_start3A = arith.constant 0 : i32
      %dma_start3A_68 = tpu.memref_slice %arg8[%dma_start3A] : memref<272xf32, #tpu.memory_space<vmem>> -> memref<256xf32, #tpu.memory_space<vmem>>
      %dma_start3A_69 = tpu.memref_slice %arg4[%run_scoped3A, %select_n3A, %mul3A_52] : memref<5x8x1024xf32, #tpu.memory_space<hbm>> -> memref<1x1x256xf32, #tpu.memory_space<hbm>>
      %dma_start3A_70 = tpu.memref_squeeze %dma_start3A_69 : memref<1x1x256xf32, #tpu.memory_space<hbm>> -> memref<256xf32, #tpu.memory_space<hbm>>
      %dma_start3A_71 = tpu.memref_slice %arg4[%run_scoped3A, %select_n3A, %mul3A_52] : memref<5x8x1024xf32, #tpu.memory_space<hbm>> -> memref<1x1x256xf32, #tpu.memory_space<hbm>>
      %dma_start3A_72 = tpu.memref_squeeze %dma_start3A_71 : memref<1x1x256xf32, #tpu.memory_space<hbm>> -> memref<256xf32, #tpu.memory_space<hbm>>
      %dma_start3A_73 = arith.constant 0 : i32
      %dma_start3A_74 = tpu.memref_slice %arg8[%dma_start3A_73] : memref<272xf32, #tpu.memory_space<vmem>> -> memref<256xf32, #tpu.memory_space<vmem>>
      tpu.enqueue_dma source(%dma_start3A_74 : memref<256xf32, #tpu.memory_space<vmem>>) target(%dma_start3A_72 : memref<256xf32, #tpu.memory_space<hbm>>) target_semaphore(%run_scoped3A_67 : memref<!tpu.dma_semaphore, #tpu.memory_space<semaphore_mem>>)
      %dma_wait3A = arith.constant 0 : i32
      %dma_wait3A_75 = tpu.memref_slice %arg8[%dma_wait3A] : memref<272xf32, #tpu.memory_space<vmem>> -> memref<256xf32, #tpu.memory_space<vmem>>
      %dma_wait3A_76 = tpu.memref_slice %arg4[%run_scoped3A, %select_n3A, %mul3A_52] : memref<5x8x1024xf32, #tpu.memory_space<hbm>> -> memref<1x1x256xf32, #tpu.memory_space<hbm>>
      %dma_wait3A_77 = tpu.memref_squeeze %dma_wait3A_76 : memref<1x1x256xf32, #tpu.memory_space<hbm>> -> memref<256xf32, #tpu.memory_space<hbm>>
      %dma_wait3A_78 = tpu.memref_slice %arg4[%run_scoped3A, %select_n3A, %mul3A_52] : memref<5x8x1024xf32, #tpu.memory_space<hbm>> -> memref<1x1x256xf32, #tpu.memory_space<hbm>>
      %dma_wait3A_79 = tpu.memref_squeeze %dma_wait3A_78 : memref<1x1x256xf32, #tpu.memory_space<hbm>> -> memref<256xf32, #tpu.memory_space<hbm>>
      %dma_wait3A_80 = arith.constant 0 : i32
      %dma_wait3A_81 = tpu.memref_slice %arg8[%dma_wait3A_80] : memref<272xf32, #tpu.memory_space<vmem>> -> memref<256xf32, #tpu.memory_space<vmem>>
      tpu.wait_dma2 semaphore(%run_scoped3A_67 : memref<!tpu.dma_semaphore, #tpu.memory_space<semaphore_mem>>) src(%dma_wait3A_81 : memref<256xf32, #tpu.memory_space<vmem>>) dst(%dma_wait3A_79 : memref<256xf32, #tpu.memory_space<hbm>>)
      tpu.yield
    }) : () -> ()
    %mul3A_53 = arith.constant 256 : i32
    %mul3A_54 = arith.muli %select_n3A_30, %mul3A_53 : i32
    %run_scoped3A_55 = arith.constant 1 : i32
    "tpu.region"() ({
      %run_scoped3A_67 = tpu.sem_alloc : memref<!tpu.dma_semaphore, #tpu.memory_space<semaphore_mem>>
      %dma_start3A = arith.constant 0 : i32
      %dma_start3A_68 = tpu.memref_slice %arg9[%dma_start3A] : memref<272xf32, #tpu.memory_space<vmem>> -> memref<256xf32, #tpu.memory_space<vmem>>
      %dma_start3A_69 = tpu.memref_slice %arg4[%run_scoped3A_55, %select_n3A, %mul3A_54] : memref<5x8x1024xf32, #tpu.memory_space<hbm>> -> memref<1x1x256xf32, #tpu.memory_space<hbm>>
      %dma_start3A_70 = tpu.memref_squeeze %dma_start3A_69 : memref<1x1x256xf32, #tpu.memory_space<hbm>> -> memref<256xf32, #tpu.memory_space<hbm>>
      %dma_start3A_71 = tpu.memref_slice %arg4[%run_scoped3A_55, %select_n3A, %mul3A_54] : memref<5x8x1024xf32, #tpu.memory_space<hbm>> -> memref<1x1x256xf32, #tpu.memory_space<hbm>>
      %dma_start3A_72 = tpu.memref_squeeze %dma_start3A_71 : memref<1x1x256xf32, #tpu.memory_space<hbm>> -> memref<256xf32, #tpu.memory_space<hbm>>
      %dma_start3A_73 = arith.constant 0 : i32
      %dma_start3A_74 = tpu.memref_slice %arg9[%dma_start3A_73] : memref<272xf32, #tpu.memory_space<vmem>> -> memref<256xf32, #tpu.memory_space<vmem>>
      tpu.enqueue_dma source(%dma_start3A_74 : memref<256xf32, #tpu.memory_space<vmem>>) target(%dma_start3A_72 : memref<256xf32, #tpu.memory_space<hbm>>) target_semaphore(%run_scoped3A_67 : memref<!tpu.dma_semaphore, #tpu.memory_space<semaphore_mem>>)
      %dma_wait3A = arith.constant 0 : i32
      %dma_wait3A_75 = tpu.memref_slice %arg9[%dma_wait3A] : memref<272xf32, #tpu.memory_space<vmem>> -> memref<256xf32, #tpu.memory_space<vmem>>
      %dma_wait3A_76 = tpu.memref_slice %arg4[%run_scoped3A_55, %select_n3A, %mul3A_54] : memref<5x8x1024xf32, #tpu.memory_space<hbm>> -> memref<1x1x256xf32, #tpu.memory_space<hbm>>
      %dma_wait3A_77 = tpu.memref_squeeze %dma_wait3A_76 : memref<1x1x256xf32, #tpu.memory_space<hbm>> -> memref<256xf32, #tpu.memory_space<hbm>>
      %dma_wait3A_78 = tpu.memref_slice %arg4[%run_scoped3A_55, %select_n3A, %mul3A_54] : memref<5x8x1024xf32, #tpu.memory_space<hbm>> -> memref<1x1x256xf32, #tpu.memory_space<hbm>>
      %dma_wait3A_79 = tpu.memref_squeeze %dma_wait3A_78 : memref<1x1x256xf32, #tpu.memory_space<hbm>> -> memref<256xf32, #tpu.memory_space<hbm>>
      %dma_wait3A_80 = arith.constant 0 : i32
      %dma_wait3A_81 = tpu.memref_slice %arg9[%dma_wait3A_80] : memref<272xf32, #tpu.memory_space<vmem>> -> memref<256xf32, #tpu.memory_space<vmem>>
      tpu.wait_dma2 semaphore(%run_scoped3A_67 : memref<!tpu.dma_semaphore, #tpu.memory_space<semaphore_mem>>) src(%dma_wait3A_81 : memref<256xf32, #tpu.memory_space<vmem>>) dst(%dma_wait3A_79 : memref<256xf32, #tpu.memory_space<hbm>>)
      tpu.yield
    }) : () -> ()
    %mul3A_56 = arith.constant 256 : i32
    %mul3A_57 = arith.muli %select_n3A_30, %mul3A_56 : i32
    %run_scoped3A_58 = arith.constant 2 : i32
    "tpu.region"() ({
      %run_scoped3A_67 = tpu.sem_alloc : memref<!tpu.dma_semaphore, #tpu.memory_space<semaphore_mem>>
      %dma_start3A = arith.constant 0 : i32
      %dma_start3A_68 = tpu.memref_slice %arg10[%dma_start3A] : memref<272xf32, #tpu.memory_space<vmem>> -> memref<256xf32, #tpu.memory_space<vmem>>
      %dma_start3A_69 = tpu.memref_slice %arg4[%run_scoped3A_58, %select_n3A, %mul3A_57] : memref<5x8x1024xf32, #tpu.memory_space<hbm>> -> memref<1x1x256xf32, #tpu.memory_space<hbm>>
      %dma_start3A_70 = tpu.memref_squeeze %dma_start3A_69 : memref<1x1x256xf32, #tpu.memory_space<hbm>> -> memref<256xf32, #tpu.memory_space<hbm>>
      %dma_start3A_71 = tpu.memref_slice %arg4[%run_scoped3A_58, %select_n3A, %mul3A_57] : memref<5x8x1024xf32, #tpu.memory_space<hbm>> -> memref<1x1x256xf32, #tpu.memory_space<hbm>>
      %dma_start3A_72 = tpu.memref_squeeze %dma_start3A_71 : memref<1x1x256xf32, #tpu.memory_space<hbm>> -> memref<256xf32, #tpu.memory_space<hbm>>
      %dma_start3A_73 = arith.constant 0 : i32
      %dma_start3A_74 = tpu.memref_slice %arg10[%dma_start3A_73] : memref<272xf32, #tpu.memory_space<vmem>> -> memref<256xf32, #tpu.memory_space<vmem>>
      tpu.enqueue_dma source(%dma_start3A_74 : memref<256xf32, #tpu.memory_space<vmem>>) target(%dma_start3A_72 : memref<256xf32, #tpu.memory_space<hbm>>) target_semaphore(%run_scoped3A_67 : memref<!tpu.dma_semaphore, #tpu.memory_space<semaphore_mem>>)
      %dma_wait3A = arith.constant 0 : i32
      %dma_wait3A_75 = tpu.memref_slice %arg10[%dma_wait3A] : memref<272xf32, #tpu.memory_space<vmem>> -> memref<256xf32, #tpu.memory_space<vmem>>
      %dma_wait3A_76 = tpu.memref_slice %arg4[%run_scoped3A_58, %select_n3A, %mul3A_57] : memref<5x8x1024xf32, #tpu.memory_space<hbm>> -> memref<1x1x256xf32, #tpu.memory_space<hbm>>
      %dma_wait3A_77 = tpu.memref_squeeze %dma_wait3A_76 : memref<1x1x256xf32, #tpu.memory_space<hbm>> -> memref<256xf32, #tpu.memory_space<hbm>>
      %dma_wait3A_78 = tpu.memref_slice %arg4[%run_scoped3A_58, %select_n3A, %mul3A_57] : memref<5x8x1024xf32, #tpu.memory_space<hbm>> -> memref<1x1x256xf32, #tpu.memory_space<hbm>>
      %dma_wait3A_79 = tpu.memref_squeeze %dma_wait3A_78 : memref<1x1x256xf32, #tpu.memory_space<hbm>> -> memref<256xf32, #tpu.memory_space<hbm>>
      %dma_wait3A_80 = arith.constant 0 : i32
      %dma_wait3A_81 = tpu.memref_slice %arg10[%dma_wait3A_80] : memref<272xf32, #tpu.memory_space<vmem>> -> memref<256xf32, #tpu.memory_space<vmem>>
      tpu.wait_dma2 semaphore(%run_scoped3A_67 : memref<!tpu.dma_semaphore, #tpu.memory_space<semaphore_mem>>) src(%dma_wait3A_81 : memref<256xf32, #tpu.memory_space<vmem>>) dst(%dma_wait3A_79 : memref<256xf32, #tpu.memory_space<hbm>>)
      tpu.yield
    }) : () -> ()
    %mul3A_59 = arith.constant 256 : i32
    %mul3A_60 = arith.muli %select_n3A_30, %mul3A_59 : i32
    %run_scoped3A_61 = arith.constant 3 : i32
    "tpu.region"() ({
      %run_scoped3A_67 = tpu.sem_alloc : memref<!tpu.dma_semaphore, #tpu.memory_space<semaphore_mem>>
      %dma_start3A = arith.constant 0 : i32
      %dma_start3A_68 = tpu.memref_slice %arg11[%dma_start3A] : memref<272xf32, #tpu.memory_space<vmem>> -> memref<256xf32, #tpu.memory_space<vmem>>
      %dma_start3A_69 = tpu.memref_slice %arg4[%run_scoped3A_61, %select_n3A, %mul3A_60] : memref<5x8x1024xf32, #tpu.memory_space<hbm>> -> memref<1x1x256xf32, #tpu.memory_space<hbm>>
      %dma_start3A_70 = tpu.memref_squeeze %dma_start3A_69 : memref<1x1x256xf32, #tpu.memory_space<hbm>> -> memref<256xf32, #tpu.memory_space<hbm>>
      %dma_start3A_71 = tpu.memref_slice %arg4[%run_scoped3A_61, %select_n3A, %mul3A_60] : memref<5x8x1024xf32, #tpu.memory_space<hbm>> -> memref<1x1x256xf32, #tpu.memory_space<hbm>>
      %dma_start3A_72 = tpu.memref_squeeze %dma_start3A_71 : memref<1x1x256xf32, #tpu.memory_space<hbm>> -> memref<256xf32, #tpu.memory_space<hbm>>
      %dma_start3A_73 = arith.constant 0 : i32
      %dma_start3A_74 = tpu.memref_slice %arg11[%dma_start3A_73] : memref<272xf32, #tpu.memory_space<vmem>> -> memref<256xf32, #tpu.memory_space<vmem>>
      tpu.enqueue_dma source(%dma_start3A_74 : memref<256xf32, #tpu.memory_space<vmem>>) target(%dma_start3A_72 : memref<256xf32, #tpu.memory_space<hbm>>) target_semaphore(%run_scoped3A_67 : memref<!tpu.dma_semaphore, #tpu.memory_space<semaphore_mem>>)
      %dma_wait3A = arith.constant 0 : i32
      %dma_wait3A_75 = tpu.memref_slice %arg11[%dma_wait3A] : memref<272xf32, #tpu.memory_space<vmem>> -> memref<256xf32, #tpu.memory_space<vmem>>
      %dma_wait3A_76 = tpu.memref_slice %arg4[%run_scoped3A_61, %select_n3A, %mul3A_60] : memref<5x8x1024xf32, #tpu.memory_space<hbm>> -> memref<1x1x256xf32, #tpu.memory_space<hbm>>
      %dma_wait3A_77 = tpu.memref_squeeze %dma_wait3A_76 : memref<1x1x256xf32, #tpu.memory_space<hbm>> -> memref<256xf32, #tpu.memory_space<hbm>>
      %dma_wait3A_78 = tpu.memref_slice %arg4[%run_scoped3A_61, %select_n3A, %mul3A_60] : memref<5x8x1024xf32, #tpu.memory_space<hbm>> -> memref<1x1x256xf32, #tpu.memory_space<hbm>>
      %dma_wait3A_79 = tpu.memref_squeeze %dma_wait3A_78 : memref<1x1x256xf32, #tpu.memory_space<hbm>> -> memref<256xf32, #tpu.memory_space<hbm>>
      %dma_wait3A_80 = arith.constant 0 : i32
      %dma_wait3A_81 = tpu.memref_slice %arg11[%dma_wait3A_80] : memref<272xf32, #tpu.memory_space<vmem>> -> memref<256xf32, #tpu.memory_space<vmem>>
      tpu.wait_dma2 semaphore(%run_scoped3A_67 : memref<!tpu.dma_semaphore, #tpu.memory_space<semaphore_mem>>) src(%dma_wait3A_81 : memref<256xf32, #tpu.memory_space<vmem>>) dst(%dma_wait3A_79 : memref<256xf32, #tpu.memory_space<hbm>>)
      tpu.yield
    }) : () -> ()
    %mul3A_62 = arith.constant 256 : i32
    %mul3A_63 = arith.muli %select_n3A_30, %mul3A_62 : i32
    %run_scoped3A_64 = arith.constant 4 : i32
    "tpu.region"() ({
      %run_scoped3A_67 = tpu.sem_alloc : memref<!tpu.dma_semaphore, #tpu.memory_space<semaphore_mem>>
      %dma_start3A = arith.constant 0 : i32
      %dma_start3A_68 = tpu.memref_slice %arg12[%dma_start3A] : memref<272xf32, #tpu.memory_space<vmem>> -> memref<256xf32, #tpu.memory_space<vmem>>
      %dma_start3A_69 = tpu.memref_slice %arg4[%run_scoped3A_64, %select_n3A, %mul3A_63] : memref<5x8x1024xf32, #tpu.memory_space<hbm>> -> memref<1x1x256xf32, #tpu.memory_space<hbm>>
      %dma_start3A_70 = tpu.memref_squeeze %dma_start3A_69 : memref<1x1x256xf32, #tpu.memory_space<hbm>> -> memref<256xf32, #tpu.memory_space<hbm>>
      %dma_start3A_71 = tpu.memref_slice %arg4[%run_scoped3A_64, %select_n3A, %mul3A_63] : memref<5x8x1024xf32, #tpu.memory_space<hbm>> -> memref<1x1x256xf32, #tpu.memory_space<hbm>>
      %dma_start3A_72 = tpu.memref_squeeze %dma_start3A_71 : memref<1x1x256xf32, #tpu.memory_space<hbm>> -> memref<256xf32, #tpu.memory_space<hbm>>
      %dma_start3A_73 = arith.constant 0 : i32
      %dma_start3A_74 = tpu.memref_slice %arg12[%dma_start3A_73] : memref<272xf32, #tpu.memory_space<vmem>> -> memref<256xf32, #tpu.memory_space<vmem>>
      tpu.enqueue_dma source(%dma_start3A_74 : memref<256xf32, #tpu.memory_space<vmem>>) target(%dma_start3A_72 : memref<256xf32, #tpu.memory_space<hbm>>) target_semaphore(%run_scoped3A_67 : memref<!tpu.dma_semaphore, #tpu.memory_space<semaphore_mem>>)
      %dma_wait3A = arith.constant 0 : i32
      %dma_wait3A_75 = tpu.memref_slice %arg12[%dma_wait3A] : memref<272xf32, #tpu.memory_space<vmem>> -> memref<256xf32, #tpu.memory_space<vmem>>
      %dma_wait3A_76 = tpu.memref_slice %arg4[%run_scoped3A_64, %select_n3A, %mul3A_63] : memref<5x8x1024xf32, #tpu.memory_space<hbm>> -> memref<1x1x256xf32, #tpu.memory_space<hbm>>
      %dma_wait3A_77 = tpu.memref_squeeze %dma_wait3A_76 : memref<1x1x256xf32, #tpu.memory_space<hbm>> -> memref<256xf32, #tpu.memory_space<hbm>>
      %dma_wait3A_78 = tpu.memref_slice %arg4[%run_scoped3A_64, %select_n3A, %mul3A_63] : memref<5x8x1024xf32, #tpu.memory_space<hbm>> -> memref<1x1x256xf32, #tpu.memory_space<hbm>>
      %dma_wait3A_79 = tpu.memref_squeeze %dma_wait3A_78 : memref<1x1x256xf32, #tpu.memory_space<hbm>> -> memref<256xf32, #tpu.memory_space<hbm>>
      %dma_wait3A_80 = arith.constant 0 : i32
      %dma_wait3A_81 = tpu.memref_slice %arg12[%dma_wait3A_80] : memref<272xf32, #tpu.memory_space<vmem>> -> memref<256xf32, #tpu.memory_space<vmem>>
      tpu.wait_dma2 semaphore(%run_scoped3A_67 : memref<!tpu.dma_semaphore, #tpu.memory_space<semaphore_mem>>) src(%dma_wait3A_81 : memref<256xf32, #tpu.memory_space<vmem>>) dst(%dma_wait3A_79 : memref<256xf32, #tpu.memory_space<hbm>>)
      tpu.yield
    }) : () -> ()
    %mul3A_65 = arith.constant 16 : i32
    %mul3A_66 = arith.muli %select_n3A_30, %mul3A_65 : i32
    "tpu.region"() ({
      %run_scoped3A_67 = tpu.sem_alloc : memref<!tpu.dma_semaphore, #tpu.memory_space<semaphore_mem>>
      %dma_start3A = tpu.memref_slice %arg5[%select_n3A, %mul3A_66] : memref<8x64xi32, #tpu.memory_space<hbm>> -> memref<1x16xi32, #tpu.memory_space<hbm>>
      %dma_start3A_68 = tpu.memref_squeeze %dma_start3A : memref<1x16xi32, #tpu.memory_space<hbm>> -> memref<16xi32, #tpu.memory_space<hbm>>
      %dma_start3A_69 = tpu.memref_slice %arg5[%select_n3A, %mul3A_66] : memref<8x64xi32, #tpu.memory_space<hbm>> -> memref<1x16xi32, #tpu.memory_space<hbm>>
      %dma_start3A_70 = tpu.memref_squeeze %dma_start3A_69 : memref<1x16xi32, #tpu.memory_space<hbm>> -> memref<16xi32, #tpu.memory_space<hbm>>
      tpu.enqueue_dma source(%arg13 : memref<16xi32, #tpu.memory_space<vmem>>) target(%dma_start3A_70 : memref<16xi32, #tpu.memory_space<hbm>>) target_semaphore(%run_scoped3A_67 : memref<!tpu.dma_semaphore, #tpu.memory_space<semaphore_mem>>)
      %dma_wait3A = tpu.memref_slice %arg5[%select_n3A, %mul3A_66] : memref<8x64xi32, #tpu.memory_space<hbm>> -> memref<1x16xi32, #tpu.memory_space<hbm>>
      %dma_wait3A_71 = tpu.memref_squeeze %dma_wait3A : memref<1x16xi32, #tpu.memory_space<hbm>> -> memref<16xi32, #tpu.memory_space<hbm>>
      %dma_wait3A_72 = tpu.memref_slice %arg5[%select_n3A, %mul3A_66] : memref<8x64xi32, #tpu.memory_space<hbm>> -> memref<1x16xi32, #tpu.memory_space<hbm>>
      %dma_wait3A_73 = tpu.memref_squeeze %dma_wait3A_72 : memref<1x16xi32, #tpu.memory_space<hbm>> -> memref<16xi32, #tpu.memory_space<hbm>>
      tpu.wait_dma2 semaphore(%run_scoped3A_67 : memref<!tpu.dma_semaphore, #tpu.memory_space<semaphore_mem>>) src(%arg13 : memref<16xi32, #tpu.memory_space<vmem>>) dst(%dma_wait3A_73 : memref<16xi32, #tpu.memory_space<hbm>>)
      tpu.yield
    }) : () -> ()
    return
  }
}

module attributes {stable_mosaic.version = 14 : i64} {
  func.func @_nms_fast_body(%arg0: memref<5x8x1024xf32, #tpu.memory_space<vmem>>, %arg1: memref<8x64xi32, #tpu.memory_space<vmem>>, %arg2: memref<8x128xi32, #tpu.memory_space<vmem>>, %arg3: memref<7x8x20480xf32, #tpu.memory_space<any>>, %arg4: memref<100x8x5xf32, #tpu.memory_space<vmem>>, %arg5: memref<8x20480xf32, #tpu.memory_space<vmem>>, %arg6: memref<8x20480xf32, #tpu.memory_space<vmem>>, %arg7: memref<8x20480xf32, #tpu.memory_space<vmem>>, %arg8: memref<8x20480xf32, #tpu.memory_space<vmem>>, %arg9: memref<8x20480xf32, #tpu.memory_space<vmem>>, %arg10: memref<8x20480xf32, #tpu.memory_space<vmem>>, %arg11: memref<32x1024xf32, #tpu.memory_space<vmem>>, %arg12: memref<8x1024xf32, #tpu.memory_space<vmem>>, %arg13: memref<8x1024xf32, #tpu.memory_space<vmem>>, %arg14: memref<7x8x20480xf32, #tpu.memory_space<vmem>>, %arg15: memref<!tpu.dma_semaphore, #tpu.memory_space<semaphore_mem>>) attributes {dimension_semantics = [], scalar_prefetch = 0 : i64, scratch_operands = 11 : i64, tpu.core_type = #tpu.core_type<tc>} {
    %get3A = arith.constant 0 : index
    %get3A_0 = arith.constant 0 : index
    %get3A_1 = arith.constant 0 : index
    %get3A_2 = vector.load %arg0[%get3A, %get3A_0, %get3A_1] : memref<5x8x1024xf32, #tpu.memory_space<vmem>>, vector<1x8x1024xf32>
    %get3A_3 = vector.shape_cast %get3A_2 : vector<1x8x1024xf32> to vector<8x1024xf32>
    %get3A_4 = arith.constant 1 : index
    %get3A_5 = arith.constant 0 : index
    %get3A_6 = arith.constant 0 : index
    %get3A_7 = vector.load %arg0[%get3A_4, %get3A_5, %get3A_6] : memref<5x8x1024xf32, #tpu.memory_space<vmem>>, vector<1x8x1024xf32>
    %get3A_8 = vector.shape_cast %get3A_7 : vector<1x8x1024xf32> to vector<8x1024xf32>
    %get3A_9 = arith.constant 2 : index
    %get3A_10 = arith.constant 0 : index
    %get3A_11 = arith.constant 0 : index
    %get3A_12 = vector.load %arg0[%get3A_9, %get3A_10, %get3A_11] : memref<5x8x1024xf32, #tpu.memory_space<vmem>>, vector<1x8x1024xf32>
    %get3A_13 = vector.shape_cast %get3A_12 : vector<1x8x1024xf32> to vector<8x1024xf32>
    %get3A_14 = arith.constant 3 : index
    %get3A_15 = arith.constant 0 : index
    %get3A_16 = arith.constant 0 : index
    %get3A_17 = vector.load %arg0[%get3A_14, %get3A_15, %get3A_16] : memref<5x8x1024xf32, #tpu.memory_space<vmem>>, vector<1x8x1024xf32>
    %get3A_18 = vector.shape_cast %get3A_17 : vector<1x8x1024xf32> to vector<8x1024xf32>
    %swap3A = arith.constant 0 : index
    %swap3A_19 = arith.constant 0 : index
    %swap3A_20 = vector.load %arg11[%swap3A, %swap3A_19] : memref<32x1024xf32, #tpu.memory_space<vmem>>, vector<8x1024xf32>
    tpu.vector_store %arg11[%swap3A, %swap3A_19], %get3A_3 {strides = array<i32>} : memref<32x1024xf32, #tpu.memory_space<vmem>>, vector<8x1024xf32>,
    %swap3A_21 = arith.constant 8 : index
    %swap3A_22 = arith.constant 0 : index
    %swap3A_23 = vector.load %arg11[%swap3A_21, %swap3A_22] : memref<32x1024xf32, #tpu.memory_space<vmem>>, vector<8x1024xf32>
    tpu.vector_store %arg11[%swap3A_21, %swap3A_22], %get3A_8 {strides = array<i32>} : memref<32x1024xf32, #tpu.memory_space<vmem>>, vector<8x1024xf32>,
    %swap3A_24 = arith.constant 16 : index
    %swap3A_25 = arith.constant 0 : index
    %swap3A_26 = vector.load %arg11[%swap3A_24, %swap3A_25] : memref<32x1024xf32, #tpu.memory_space<vmem>>, vector<8x1024xf32>
    tpu.vector_store %arg11[%swap3A_24, %swap3A_25], %get3A_13 {strides = array<i32>} : memref<32x1024xf32, #tpu.memory_space<vmem>>, vector<8x1024xf32>,
    %swap3A_27 = arith.constant 24 : index
    %swap3A_28 = arith.constant 0 : index
    %swap3A_29 = vector.load %arg11[%swap3A_27, %swap3A_28] : memref<32x1024xf32, #tpu.memory_space<vmem>>, vector<8x1024xf32>
    tpu.vector_store %arg11[%swap3A_27, %swap3A_28], %get3A_18 {strides = array<i32>} : memref<32x1024xf32, #tpu.memory_space<vmem>>, vector<8x1024xf32>,
    %sub3A = arith.subf %get3A_13, %get3A_3 : vector<8x1024xf32>
    %jit3A = arith.constant 0.000000e+00 : f32
    %max3A = vector.broadcast %jit3A : f32 to vector<8x1024xf32>
    %max3A_30 = arith.maximumf %max3A, %sub3A : vector<8x1024xf32>
    %sub3A_31 = arith.subf %get3A_18, %get3A_8 : vector<8x1024xf32>
    %jit3A_32 = arith.constant 0.000000e+00 : f32
    %max3A_33 = vector.broadcast %jit3A_32 : f32 to vector<8x1024xf32>
    %max3A_34 = arith.maximumf %max3A_33, %sub3A_31 : vector<8x1024xf32>
    %mul3A = arith.mulf %max3A_30, %max3A_34 : vector<8x1024xf32>
    %swap3A_35 = arith.constant 0 : index
    %swap3A_36 = arith.constant 0 : index
    %swap3A_37 = vector.load %arg12[%swap3A_35, %swap3A_36] : memref<8x1024xf32, #tpu.memory_space<vmem>>, vector<8x1024xf32>
    tpu.vector_store %arg12[%swap3A_35, %swap3A_36], %mul3A {strides = array<i32>} : memref<8x1024xf32, #tpu.memory_space<vmem>>, vector<8x1024xf32>,
    %get3A_38 = arith.constant 4 : index
    %get3A_39 = arith.constant 0 : index
    %get3A_40 = arith.constant 0 : index
    %get3A_41 = vector.load %arg0[%get3A_38, %get3A_39, %get3A_40] : memref<5x8x1024xf32, #tpu.memory_space<vmem>>, vector<1x8x1024xf32>
    %get3A_42 = vector.shape_cast %get3A_41 : vector<1x8x1024xf32> to vector<8x1024xf32>
    %swap3A_43 = arith.constant 0 : index
    %swap3A_44 = arith.constant 0 : index
    %swap3A_45 = vector.load %arg13[%swap3A_43, %swap3A_44] : memref<8x1024xf32, #tpu.memory_space<vmem>>, vector<8x1024xf32>
    tpu.vector_store %arg13[%swap3A_43, %swap3A_44], %get3A_42 {strides = array<i32>} : memref<8x1024xf32, #tpu.memory_space<vmem>>, vector<8x1024xf32>,
    %iota3A = tpu.iota {dimensions = array<i32: 1>} : vector<8x1024xi32>
    %broadcast_in_dim3A = arith.constant 0 : i32
    %broadcast_in_dim3A_46 = vector.broadcast %broadcast_in_dim3A : i32 to vector<8x1xi32>
    %scan3A = arith.constant 0 : i32
    %scan3A_47 = arith.constant 100 : i32
    %scan3A_48 = arith.addi %scan3A, %scan3A_47 : i32
    %scan3A_49 = arith.constant 1 : i32
    %scan3A_50 = scf.for %scan3A_108 = %scan3A to %scan3A_48 step %scan3A_49 iter_args(%scan3A_109 = %broadcast_in_dim3A_46) -> (vector<8x1xi32>)  : i32 {
      %get3A_110 = arith.constant 0 : index
      %get3A_111 = arith.constant 0 : index
      %get3A_112 = vector.load %arg13[%get3A_110, %get3A_111] : memref<8x1024xf32, #tpu.memory_space<vmem>>, vector<8x1024xf32>
      %reduce_max3A_113 = arith.constant dense<0xFF800000> : vector<8xf32>
      %reduce_max3A_114 = vector.multi_reduction <maximumf>, %get3A_112, %reduce_max3A_113 [1] : vector<8x1024xf32> to vector<8xf32>
      %broadcast_in_dim3A_115 = vector.shape_cast %reduce_max3A_114 : vector<8xf32> to vector<8x1xf32>
      %gt3A_116 = arith.constant 0xFF800000 : f32
      %gt3A_117 = vector.broadcast %gt3A_116 : f32 to vector<8x1xf32>
      %gt3A_118 = arith.cmpf ogt, %broadcast_in_dim3A_115, %gt3A_117 : vector<8x1xf32>
      %eq3A = vector.broadcast %broadcast_in_dim3A_115 : vector<8x1xf32> to vector<8x1024xf32>
      %eq3A_119 = arith.cmpf oeq, %get3A_112, %eq3A : vector<8x1024xf32>
      %jit3A_120 = arith.constant 1024 : i32
      %broadcast_in_dim3A_121 = vector.broadcast %jit3A_120 : i32 to vector<8x1024xi32>
      %select_n3A_122 = arith.select %eq3A_119, %iota3A, %broadcast_in_dim3A_121 : vector<8x1024xi1>, vector<8x1024xi32>
      %reduce_min3A = arith.constant dense<2147483647> : vector<8xi32>
      %reduce_min3A_123 = vector.multi_reduction <minsi>, %select_n3A_122, %reduce_min3A [1] : vector<8x1024xi32> to vector<8xi32>
      %broadcast_in_dim3A_124 = vector.shape_cast %reduce_min3A_123 : vector<8xi32> to vector<8x1xi32>
      %eq3A_125 = vector.broadcast %broadcast_in_dim3A_124 : vector<8x1xi32> to vector<8x1024xi32>
      %eq3A_126 = arith.cmpi eq, %iota3A, %eq3A_125 : vector<8x1024xi32>
      %concatenate3A = tpu.concatenate %eq3A_126, %eq3A_126, %eq3A_126, %eq3A_126 in 0 : vector<8x1024xi1>, vector<8x1024xi1>, vector<8x1024xi1>, vector<8x1024xi1> -> vector<32x1024xi1>
      %get3A_127 = arith.constant 0 : index
      %get3A_128 = arith.constant 0 : index
      %get3A_129 = vector.load %arg11[%get3A_127, %get3A_128] : memref<32x1024xf32, #tpu.memory_space<vmem>>, vector<32x1024xf32>
      %jit3A_130 = arith.constant 0xFF800000 : f32
      %broadcast_in_dim3A_131 = vector.broadcast %jit3A_130 : f32 to vector<32x1024xf32>
      %select_n3A_132 = arith.select %concatenate3A, %get3A_129, %broadcast_in_dim3A_131 : vector<32x1024xi1>, vector<32x1024xf32>
      %reduce_max3A_133 = arith.constant dense<0xFF800000> : vector<32xf32>
      %reduce_max3A_134 = vector.multi_reduction <maximumf>, %select_n3A_132, %reduce_max3A_133 [1] : vector<32x1024xf32> to vector<32xf32>
      %broadcast_in_dim3A_135 = vector.shape_cast %reduce_max3A_134 : vector<32xf32> to vector<32x1xf32>
      %slice3A = vector.extract_strided_slice %broadcast_in_dim3A_135 {offsets = [0, 0], sizes = [8, 1], strides = [1, 1]} : vector<32x1xf32> to vector<8x1xf32>
      %slice3A_136 = vector.extract_strided_slice %broadcast_in_dim3A_135 {offsets = [8, 0], sizes = [8, 1], strides = [1, 1]} : vector<32x1xf32> to vector<8x1xf32>
      %slice3A_137 = vector.extract_strided_slice %broadcast_in_dim3A_135 {offsets = [16, 0], sizes = [8, 1], strides = [1, 1]} : vector<32x1xf32> to vector<8x1xf32>
      %slice3A_138 = vector.extract_strided_slice %broadcast_in_dim3A_135 {offsets = [24, 0], sizes = [8, 1], strides = [1, 1]} : vector<32x1xf32> to vector<8x1xf32>
      %get3A_139 = arith.constant 0 : index
      %get3A_140 = arith.constant 0 : index
      %get3A_141 = vector.load %arg11[%get3A_139, %get3A_140] : memref<32x1024xf32, #tpu.memory_space<vmem>>, vector<8x1024xf32>
      %get3A_142 = arith.constant 8 : index
      %get3A_143 = arith.constant 0 : index
      %get3A_144 = vector.load %arg11[%get3A_142, %get3A_143] : memref<32x1024xf32, #tpu.memory_space<vmem>>, vector<8x1024xf32>
      %get3A_145 = arith.constant 16 : index
      %get3A_146 = arith.constant 0 : index
      %get3A_147 = vector.load %arg11[%get3A_145, %get3A_146] : memref<32x1024xf32, #tpu.memory_space<vmem>>, vector<8x1024xf32>
      %get3A_148 = arith.constant 24 : index
      %get3A_149 = arith.constant 0 : index
      %get3A_150 = vector.load %arg11[%get3A_148, %get3A_149] : memref<32x1024xf32, #tpu.memory_space<vmem>>, vector<8x1024xf32>
      %max3A_151 = vector.broadcast %slice3A : vector<8x1xf32> to vector<8x1024xf32>
      %max3A_152 = arith.maximumf %max3A_151, %get3A_141 : vector<8x1024xf32>
      %max3A_153 = vector.broadcast %slice3A_136 : vector<8x1xf32> to vector<8x1024xf32>
      %max3A_154 = arith.maximumf %max3A_153, %get3A_144 : vector<8x1024xf32>
      %min3A_155 = vector.broadcast %slice3A_137 : vector<8x1xf32> to vector<8x1024xf32>
      %min3A_156 = arith.minimumf %min3A_155, %get3A_147 : vector<8x1024xf32>
      %min3A_157 = vector.broadcast %slice3A_138 : vector<8x1xf32> to vector<8x1024xf32>
      %min3A_158 = arith.minimumf %min3A_157, %get3A_150 : vector<8x1024xf32>
      %sub3A_159 = arith.subf %min3A_156, %max3A_152 : vector<8x1024xf32>
      %jit3A_160 = arith.constant 0.000000e+00 : f32
      %max3A_161 = vector.broadcast %jit3A_160 : f32 to vector<8x1024xf32>
      %max3A_162 = arith.maximumf %max3A_161, %sub3A_159 : vector<8x1024xf32>
      %sub3A_163 = arith.subf %min3A_158, %max3A_154 : vector<8x1024xf32>
      %jit3A_164 = arith.constant 0.000000e+00 : f32
      %max3A_165 = vector.broadcast %jit3A_164 : f32 to vector<8x1024xf32>
      %max3A_166 = arith.maximumf %max3A_165, %sub3A_163 : vector<8x1024xf32>
      %mul3A_167 = arith.mulf %max3A_162, %max3A_166 : vector<8x1024xf32>
      %sub3A_168 = arith.subf %slice3A_137, %slice3A : vector<8x1xf32>
      %jit3A_169 = arith.constant 0.000000e+00 : f32
      %max3A_170 = vector.broadcast %jit3A_169 : f32 to vector<8x1xf32>
      %max3A_171 = arith.maximumf %max3A_170, %sub3A_168 : vector<8x1xf32>
      %sub3A_172 = arith.subf %slice3A_138, %slice3A_136 : vector<8x1xf32>
      %jit3A_173 = arith.constant 0.000000e+00 : f32
      %max3A_174 = vector.broadcast %jit3A_173 : f32 to vector<8x1xf32>
      %max3A_175 = arith.maximumf %max3A_174, %sub3A_172 : vector<8x1xf32>
      %mul3A_176 = arith.mulf %max3A_171, %max3A_175 : vector<8x1xf32>
      %get3A_177 = arith.constant 0 : index
      %get3A_178 = arith.constant 0 : index
      %get3A_179 = vector.load %arg12[%get3A_177, %get3A_178] : memref<8x1024xf32, #tpu.memory_space<vmem>>, vector<8x1024xf32>
      %add3A = vector.broadcast %mul3A_176 : vector<8x1xf32> to vector<8x1024xf32>
      %add3A_180 = arith.addf %add3A, %get3A_179 : vector<8x1024xf32>
      %sub3A_181 = arith.subf %add3A_180, %mul3A_167 : vector<8x1024xf32>
      %add3A_182 = arith.constant 9.99999971E-10 : f32
      %add3A_183 = vector.broadcast %add3A_182 : f32 to vector<8x1024xf32>
      %add3A_184 = arith.addf %sub3A_181, %add3A_183 : vector<8x1024xf32>
      %div3A_185 = arith.divf %mul3A_167, %add3A_184 : vector<8x1024xf32>
      %gt3A_186 = arith.constant 6.500000e-01 : f32
      %gt3A_187 = vector.broadcast %gt3A_186 : f32 to vector<8x1024xf32>
      %gt3A_188 = arith.cmpf ogt, %div3A_185, %gt3A_187 : vector<8x1024xf32>
      %and3A_189 = vector.broadcast %gt3A_118 : vector<8x1xi1> to vector<8x1024xi1>
      %and3A_190 = arith.andi %and3A_189, %gt3A_188 : vector<8x1024xi1>
      %jit3A_191 = arith.constant 0xFF800000 : f32
      %broadcast_in_dim3A_192 = vector.broadcast %jit3A_191 : f32 to vector<8x1024xf32>
      %select_n3A_193 = arith.select %and3A_190, %broadcast_in_dim3A_192, %get3A_112 : vector<8x1024xi1>, vector<8x1024xf32>
      %swap3A_194 = arith.constant 0 : index
      %swap3A_195 = arith.constant 0 : index
      %swap3A_196 = vector.load %arg13[%swap3A_194, %swap3A_195] : memref<8x1024xf32, #tpu.memory_space<vmem>>, vector<8x1024xf32>
      tpu.vector_store %arg13[%swap3A_194, %swap3A_195], %select_n3A_193 {strides = array<i32>} : memref<8x1024xf32, #tpu.memory_space<vmem>>, vector<8x1024xf32>,
      %concatenate3A_197 = tpu.concatenate %slice3A, %slice3A_136, %slice3A_137, %slice3A_138, %broadcast_in_dim3A_115 in 1 : vector<8x1xf32>, vector<8x1xf32>, vector<8x1xf32>, vector<8x1xf32>, vector<8x1xf32> -> vector<8x5xf32>
      %jit3A_198 = arith.constant 0.000000e+00 : f32
      %broadcast_in_dim3A_199 = vector.shape_cast %gt3A_118 : vector<8x1xi1> to vector<8x1xi1>
      %broadcast_in_dim3A_200 = vector.broadcast %broadcast_in_dim3A_199 : vector<8x1xi1> to vector<8x5xi1>
      %broadcast_in_dim3A_201 = vector.broadcast %jit3A_198 : f32 to vector<8x5xf32>
      %select_n3A_202 = arith.select %broadcast_in_dim3A_200, %concatenate3A_197, %broadcast_in_dim3A_201 : vector<8x5xi1>, vector<8x5xf32>
      %swap3A_203 = arith.index_cast %scan3A_108 : i32 to index
      %swap3A_204 = arith.constant 0 : index
      %swap3A_205 = arith.constant 0 : index
      %swap3A_206 = vector.load %arg4[%swap3A_203, %swap3A_204, %swap3A_205] : memref<100x8x5xf32, #tpu.memory_space<vmem>>, vector<1x8x5xf32>
      %swap3A_207 = vector.shape_cast %swap3A_206 : vector<1x8x5xf32> to vector<8x5xf32>
      %swap3A_208 = vector.shape_cast %select_n3A_202 : vector<8x5xf32> to vector<1x8x5xf32>
      tpu.vector_store %arg4[%swap3A_203, %swap3A_204, %swap3A_205], %swap3A_208 {strides = array<i32>} : memref<100x8x5xf32, #tpu.memory_space<vmem>>, vector<1x8x5xf32>,
      %convert_element_type3A_209 = arith.extui %gt3A_118 : vector<8x1xi1> to vector<8x1xi32>
      %add3A_210 = arith.addi %scan3A_109, %convert_element_type3A_209 : vector<8x1xi32>
      scf.yield %add3A_210 : vector<8x1xi32>
    }
    %scan3A_51 = arith.constant 100 : i32
    %get3A_52 = arith.constant 0 : index
    %get3A_53 = arith.constant 0 : index
    %get3A_54 = vector.load %arg1[%get3A_52, %get3A_53] : memref<8x64xi32, #tpu.memory_space<vmem>>, vector<8x64xi32>
    %reduce_max3A = vector.shape_cast %get3A_54 : vector<8x64xi32> to vector<1x8x64xi32>
    %reduce_max3A_55 = arith.constant dense<-2147483648> : vector<1xi32>
    %reduce_max3A_56 = vector.multi_reduction <maxsi>, %reduce_max3A, %reduce_max3A_55 [1, 2] : vector<1x8x64xi32> to vector<1xi32>
    %reduce_max3A_57 = vector.shape_cast %reduce_max3A_56 : vector<1xi32> to vector<1x1x1xi32>
    %reduce_max3A_58 = vector.extract %reduce_max3A_57[0, 0, 0] : i32 from vector<1x1x1xi32>
    %gt3A = arith.constant 256 : i32
    %gt3A_59 = arith.cmpi sgt, %reduce_max3A_58, %gt3A : i32
    %min3A = arith.constant 256 : i32
    %min3A_60 = vector.broadcast %min3A : i32 to vector<8x64xi32>
    %min3A_61 = arith.minsi %get3A_54, %min3A_60 : vector<8x64xi32>
    %reduce_sum3A = arith.constant dense<0> : vector<8xi32>
    %reduce_sum3A_62 = vector.multi_reduction <add>, %min3A_61, %reduce_sum3A [1] : vector<8x64xi32> to vector<8xi32>
    %broadcast_in_dim3A_63 = vector.shape_cast %reduce_sum3A_62 : vector<8xi32> to vector<8x1xi32>
    %jit3A_64 = arith.constant 16 : i32
    %div3A = vector.broadcast %jit3A_64 : i32 to vector<8x1xi32>
    %div3A_65 = arith.divsi %broadcast_in_dim3A_63, %div3A : vector<8x1xi32>
    %sign3A = arith.constant 0 : i32
    %sign3A_66 = vector.broadcast %sign3A : i32 to vector<8x1xi32>
    %sign3A_67 = arith.cmpi sgt, %broadcast_in_dim3A_63, %sign3A_66 : vector<8x1xi32>
    %sign3A_68 = arith.extui %sign3A_67 : vector<8x1xi1> to vector<8x1xi32>
    %sign3A_69 = arith.constant 0 : i32
    %sign3A_70 = vector.broadcast %sign3A_69 : i32 to vector<8x1xi32>
    %sign3A_71 = arith.cmpi slt, %broadcast_in_dim3A_63, %sign3A_70 : vector<8x1xi32>
    %sign3A_72 = arith.extui %sign3A_71 : vector<8x1xi1> to vector<8x1xi32>
    %sign3A_73 = arith.subi %sign3A_68, %sign3A_72 : vector<8x1xi32>
    %sign3A_74 = arith.constant 0 : i32
    %sign3A_75 = arith.cmpi sgt, %jit3A_64, %sign3A_74 : i32
    %sign3A_76 = arith.extui %sign3A_75 : i1 to i32
    %sign3A_77 = arith.constant 0 : i32
    %sign3A_78 = arith.cmpi slt, %jit3A_64, %sign3A_77 : i32
    %sign3A_79 = arith.extui %sign3A_78 : i1 to i32
    %sign3A_80 = arith.subi %sign3A_76, %sign3A_79 : i32
    %ne3A = vector.broadcast %sign3A_80 : i32 to vector<8x1xi32>
    %ne3A_81 = arith.cmpi ne, %sign3A_73, %ne3A : vector<8x1xi32>
    %rem3A = vector.broadcast %jit3A_64 : i32 to vector<8x1xi32>
    %rem3A_82 = arith.remsi %broadcast_in_dim3A_63, %rem3A : vector<8x1xi32>
    %ne3A_83 = arith.constant 0 : i32
    %ne3A_84 = vector.broadcast %ne3A_83 : i32 to vector<8x1xi32>
    %ne3A_85 = arith.cmpi ne, %rem3A_82, %ne3A_84 : vector<8x1xi32>
    %and3A = arith.andi %ne3A_81, %ne3A_85 : vector<8x1xi1>
    %sub3A_86 = arith.constant 1 : i32
    %sub3A_87 = vector.broadcast %sub3A_86 : i32 to vector<8x1xi32>
    %sub3A_88 = arith.subi %div3A_65, %sub3A_87 : vector<8x1xi32>
    %select_n3A = arith.select %and3A, %sub3A_88, %div3A_65 : vector<8x1xi1>, vector<8x1xi32>
    %get3A_89 = arith.constant 0 : index
    %get3A_90 = arith.constant 0 : index
    %get3A_91 = vector.load %arg2[%get3A_89, %get3A_90] : memref<8x128xi32, #tpu.memory_space<vmem>>, vector<8x1xi32>
    %lt3A = arith.constant 100 : i32
    %lt3A_92 = vector.broadcast %lt3A : i32 to vector<8x1xi32>
    %lt3A_93 = arith.cmpi slt, %scan3A_50, %lt3A_92 : vector<8x1xi32>
    %gt3A_94 = arith.cmpi sgt, %get3A_91, %select_n3A : vector<8x1xi32>
    %and3A_95 = arith.andi %lt3A_93, %gt3A_94 : vector<8x1xi1>
    %reduce_or3A = arith.constant 1.000000e+00 : f32
    %reduce_or3A_96 = arith.constant 0.000000e+00 : f32
    %reduce_or3A_97 = vector.broadcast %reduce_or3A : f32 to vector<8x1xf32>
    %reduce_or3A_98 = vector.broadcast %reduce_or3A_96 : f32 to vector<8x1xf32>
    %reduce_or3A_99 = arith.select %and3A_95, %reduce_or3A_97, %reduce_or3A_98 : vector<8x1xi1>, vector<8x1xf32>
    %reduce_or3A_100 = vector.shape_cast %reduce_or3A_99 : vector<8x1xf32> to vector<1x8x1xf32>
    %reduce_or3A_101 = arith.constant dense<0xFF800000> : vector<1xf32>
    %reduce_or3A_102 = vector.multi_reduction <maximumf>, %reduce_or3A_100, %reduce_or3A_101 [1, 2] : vector<1x8x1xf32> to vector<1xf32>
    %reduce_or3A_103 = vector.shape_cast %reduce_or3A_102 : vector<1xf32> to vector<1x1x1xf32>
    %reduce_or3A_104 = vector.extract %reduce_or3A_103[0, 0, 0] : f32 from vector<1x1x1xf32>
    %reduce_or3A_105 = arith.constant 0.000000e+00 : f32
    %reduce_or3A_106 = arith.cmpf ogt, %reduce_or3A_104, %reduce_or3A_105 : f32
    %or3A = arith.ori %gt3A_59, %reduce_or3A_106 : i1
    %convert_element_type3A = arith.extui %or3A : i1 to i32
    %cond3A = arith.constant 0 : i32
    %cond3A_107 = arith.cmpi ne, %convert_element_type3A, %cond3A : i32
    scf.if %cond3A_107 {
      tpu.enqueue_dma source(%arg3 : memref<7x8x20480xf32, #tpu.memory_space<any>>) target(%arg14 : memref<7x8x20480xf32, #tpu.memory_space<vmem>>) target_semaphore(%arg15 : memref<!tpu.dma_semaphore, #tpu.memory_space<semaphore_mem>>)
      tpu.wait_dma2 semaphore(%arg15 : memref<!tpu.dma_semaphore, #tpu.memory_space<semaphore_mem>>) src(%arg3 : memref<7x8x20480xf32, #tpu.memory_space<any>>) dst(%arg14 : memref<7x8x20480xf32, #tpu.memory_space<vmem>>)
      %get3A_108 = arith.constant 0 : index
      %get3A_109 = arith.constant 0 : index
      %get3A_110 = arith.constant 0 : index
      %get3A_111 = vector.load %arg14[%get3A_108, %get3A_109, %get3A_110] : memref<7x8x20480xf32, #tpu.memory_space<vmem>>, vector<1x8x20480xf32>
      %get3A_112 = vector.shape_cast %get3A_111 : vector<1x8x20480xf32> to vector<8x20480xf32>
      %get3A_113 = arith.constant 1 : index
      %get3A_114 = arith.constant 0 : index
      %get3A_115 = arith.constant 0 : index
      %get3A_116 = vector.load %arg14[%get3A_113, %get3A_114, %get3A_115] : memref<7x8x20480xf32, #tpu.memory_space<vmem>>, vector<1x8x20480xf32>
      %get3A_117 = vector.shape_cast %get3A_116 : vector<1x8x20480xf32> to vector<8x20480xf32>
      %get3A_118 = arith.constant 2 : index
      %get3A_119 = arith.constant 0 : index
      %get3A_120 = arith.constant 0 : index
      %get3A_121 = vector.load %arg14[%get3A_118, %get3A_119, %get3A_120] : memref<7x8x20480xf32, #tpu.memory_space<vmem>>, vector<1x8x20480xf32>
      %get3A_122 = vector.shape_cast %get3A_121 : vector<1x8x20480xf32> to vector<8x20480xf32>
      %get3A_123 = arith.constant 3 : index
      %get3A_124 = arith.constant 0 : index
      %get3A_125 = arith.constant 0 : index
      %get3A_126 = vector.load %arg14[%get3A_123, %get3A_124, %get3A_125] : memref<7x8x20480xf32, #tpu.memory_space<vmem>>, vector<1x8x20480xf32>
      %get3A_127 = vector.shape_cast %get3A_126 : vector<1x8x20480xf32> to vector<8x20480xf32>
      %get3A_128 = arith.constant 4 : index
      %get3A_129 = arith.constant 0 : index
      %get3A_130 = arith.constant 0 : index
      %get3A_131 = vector.load %arg14[%get3A_128, %get3A_129, %get3A_130] : memref<7x8x20480xf32, #tpu.memory_space<vmem>>, vector<1x8x20480xf32>
      %get3A_132 = vector.shape_cast %get3A_131 : vector<1x8x20480xf32> to vector<8x20480xf32>
      %get3A_133 = arith.constant 5 : index
      %get3A_134 = arith.constant 0 : index
      %get3A_135 = arith.constant 0 : index
      %get3A_136 = vector.load %arg14[%get3A_133, %get3A_134, %get3A_135] : memref<7x8x20480xf32, #tpu.memory_space<vmem>>, vector<1x8x20480xf32>
      %get3A_137 = vector.shape_cast %get3A_136 : vector<1x8x20480xf32> to vector<8x20480xf32>
      %get3A_138 = arith.constant 6 : index
      %get3A_139 = arith.constant 0 : index
      %get3A_140 = arith.constant 0 : index
      %get3A_141 = vector.load %arg14[%get3A_138, %get3A_139, %get3A_140] : memref<7x8x20480xf32, #tpu.memory_space<vmem>>, vector<1x8x20480xf32>
      %get3A_142 = vector.shape_cast %get3A_141 : vector<1x8x20480xf32> to vector<8x20480xf32>
      %div3A_143 = arith.constant 2.000000e+00 : f32
      %div3A_144 = vector.broadcast %div3A_143 : f32 to vector<8x20480xf32>
      %div3A_145 = arith.divf %get3A_122, %div3A_144 : vector<8x20480xf32>
      %sub3A_146 = arith.subf %get3A_112, %div3A_145 : vector<8x20480xf32>
      %div3A_147 = arith.constant 2.000000e+00 : f32
      %div3A_148 = vector.broadcast %div3A_147 : f32 to vector<8x20480xf32>
      %div3A_149 = arith.divf %get3A_127, %div3A_148 : vector<8x20480xf32>
      %sub3A_150 = arith.subf %get3A_117, %div3A_149 : vector<8x20480xf32>
      %div3A_151 = arith.constant 2.000000e+00 : f32
      %div3A_152 = vector.broadcast %div3A_151 : f32 to vector<8x20480xf32>
      %div3A_153 = arith.divf %get3A_122, %div3A_152 : vector<8x20480xf32>
      %add3A = arith.addf %get3A_112, %div3A_153 : vector<8x20480xf32>
      %div3A_154 = arith.constant 2.000000e+00 : f32
      %div3A_155 = vector.broadcast %div3A_154 : f32 to vector<8x20480xf32>
      %div3A_156 = arith.divf %get3A_127, %div3A_155 : vector<8x20480xf32>
      %add3A_157 = arith.addf %get3A_117, %div3A_156 : vector<8x20480xf32>
      %max3A_158 = arith.maximumf %get3A_137, %get3A_142 : vector<8x20480xf32>
      %mul3A_159 = arith.mulf %get3A_132, %max3A_158 : vector<8x20480xf32>
      %swap3A_160 = arith.constant 0 : index
      %swap3A_161 = arith.constant 0 : index
      %swap3A_162 = vector.load %arg5[%swap3A_160, %swap3A_161] : memref<8x20480xf32, #tpu.memory_space<vmem>>, vector<8x20480xf32>
      tpu.vector_store %arg5[%swap3A_160, %swap3A_161], %sub3A_146 {strides = array<i32>} : memref<8x20480xf32, #tpu.memory_space<vmem>>, vector<8x20480xf32>,
      %swap3A_163 = arith.constant 0 : index
      %swap3A_164 = arith.constant 0 : index
      %swap3A_165 = vector.load %arg6[%swap3A_163, %swap3A_164] : memref<8x20480xf32, #tpu.memory_space<vmem>>, vector<8x20480xf32>
      tpu.vector_store %arg6[%swap3A_163, %swap3A_164], %sub3A_150 {strides = array<i32>} : memref<8x20480xf32, #tpu.memory_space<vmem>>, vector<8x20480xf32>,
      %swap3A_166 = arith.constant 0 : index
      %swap3A_167 = arith.constant 0 : index
      %swap3A_168 = vector.load %arg7[%swap3A_166, %swap3A_167] : memref<8x20480xf32, #tpu.memory_space<vmem>>, vector<8x20480xf32>
      tpu.vector_store %arg7[%swap3A_166, %swap3A_167], %add3A {strides = array<i32>} : memref<8x20480xf32, #tpu.memory_space<vmem>>, vector<8x20480xf32>,
      %swap3A_169 = arith.constant 0 : index
      %swap3A_170 = arith.constant 0 : index
      %swap3A_171 = vector.load %arg8[%swap3A_169, %swap3A_170] : memref<8x20480xf32, #tpu.memory_space<vmem>>, vector<8x20480xf32>
      tpu.vector_store %arg8[%swap3A_169, %swap3A_170], %add3A_157 {strides = array<i32>} : memref<8x20480xf32, #tpu.memory_space<vmem>>, vector<8x20480xf32>,
      %sub3A_172 = arith.subf %add3A, %sub3A_146 : vector<8x20480xf32>
      %jit3A_173 = arith.constant 0.000000e+00 : f32
      %max3A_174 = vector.broadcast %jit3A_173 : f32 to vector<8x20480xf32>
      %max3A_175 = arith.maximumf %max3A_174, %sub3A_172 : vector<8x20480xf32>
      %sub3A_176 = arith.subf %add3A_157, %sub3A_150 : vector<8x20480xf32>
      %jit3A_177 = arith.constant 0.000000e+00 : f32
      %max3A_178 = vector.broadcast %jit3A_177 : f32 to vector<8x20480xf32>
      %max3A_179 = arith.maximumf %max3A_178, %sub3A_176 : vector<8x20480xf32>
      %mul3A_180 = arith.mulf %max3A_175, %max3A_179 : vector<8x20480xf32>
      %swap3A_181 = arith.constant 0 : index
      %swap3A_182 = arith.constant 0 : index
      %swap3A_183 = vector.load %arg9[%swap3A_181, %swap3A_182] : memref<8x20480xf32, #tpu.memory_space<vmem>>, vector<8x20480xf32>
      tpu.vector_store %arg9[%swap3A_181, %swap3A_182], %mul3A_180 {strides = array<i32>} : memref<8x20480xf32, #tpu.memory_space<vmem>>, vector<8x20480xf32>,
      %ge3A = arith.constant 0.00999999977 : f32
      %ge3A_184 = vector.broadcast %ge3A : f32 to vector<8x20480xf32>
      %ge3A_185 = arith.cmpf oge, %mul3A_159, %ge3A_184 : vector<8x20480xf32>
      %jit3A_186 = arith.constant 0xFF800000 : f32
      %broadcast_in_dim3A_187 = vector.broadcast %jit3A_186 : f32 to vector<8x20480xf32>
      %select_n3A_188 = arith.select %ge3A_185, %mul3A_159, %broadcast_in_dim3A_187 : vector<8x20480xi1>, vector<8x20480xf32>
      %swap3A_189 = arith.constant 0 : index
      %swap3A_190 = arith.constant 0 : index
      %swap3A_191 = vector.load %arg10[%swap3A_189, %swap3A_190] : memref<8x20480xf32, #tpu.memory_space<vmem>>, vector<8x20480xf32>
      tpu.vector_store %arg10[%swap3A_189, %swap3A_190], %select_n3A_188 {strides = array<i32>} : memref<8x20480xf32, #tpu.memory_space<vmem>>, vector<8x20480xf32>,
      %iota3A_192 = tpu.iota {dimensions = array<i32: 1>} : vector<8x20480xi32>
      %scan3A_193 = arith.constant 0 : i32
      %scan3A_194 = arith.constant 100 : i32
      %scan3A_195 = arith.addi %scan3A_193, %scan3A_194 : i32
      %scan3A_196 = arith.constant 1 : i32
      scf.for %scan3A_198 = %scan3A_193 to %scan3A_195 step %scan3A_196  : i32 {
        %get3A_199 = arith.constant 0 : index
        %get3A_200 = arith.constant 0 : index
        %get3A_201 = vector.load %arg10[%get3A_199, %get3A_200] : memref<8x20480xf32, #tpu.memory_space<vmem>>, vector<8x20480xf32>
        %reduce_max3A_202 = arith.constant dense<0xFF800000> : vector<8xf32>
        %reduce_max3A_203 = vector.multi_reduction <maximumf>, %get3A_201, %reduce_max3A_202 [1] : vector<8x20480xf32> to vector<8xf32>
        %broadcast_in_dim3A_204 = vector.shape_cast %reduce_max3A_203 : vector<8xf32> to vector<8x1xf32>
        %gt3A_205 = arith.constant 0xFF800000 : f32
        %gt3A_206 = vector.broadcast %gt3A_205 : f32 to vector<8x1xf32>
        %gt3A_207 = arith.cmpf ogt, %broadcast_in_dim3A_204, %gt3A_206 : vector<8x1xf32>
        %eq3A = vector.broadcast %broadcast_in_dim3A_204 : vector<8x1xf32> to vector<8x20480xf32>
        %eq3A_208 = arith.cmpf oeq, %get3A_201, %eq3A : vector<8x20480xf32>
        %jit3A_209 = arith.constant 20480 : i32
        %broadcast_in_dim3A_210 = vector.broadcast %jit3A_209 : i32 to vector<8x20480xi32>
        %select_n3A_211 = arith.select %eq3A_208, %iota3A_192, %broadcast_in_dim3A_210 : vector<8x20480xi1>, vector<8x20480xi32>
        %reduce_min3A = arith.constant dense<2147483647> : vector<8xi32>
        %reduce_min3A_212 = vector.multi_reduction <minsi>, %select_n3A_211, %reduce_min3A [1] : vector<8x20480xi32> to vector<8xi32>
        %broadcast_in_dim3A_213 = vector.shape_cast %reduce_min3A_212 : vector<8xi32> to vector<8x1xi32>
        %eq3A_214 = vector.broadcast %broadcast_in_dim3A_213 : vector<8x1xi32> to vector<8x20480xi32>
        %eq3A_215 = arith.cmpi eq, %iota3A_192, %eq3A_214 : vector<8x20480xi32>
        %get3A_216 = arith.constant 0 : index
        %get3A_217 = arith.constant 0 : index
        %get3A_218 = vector.load %arg5[%get3A_216, %get3A_217] : memref<8x20480xf32, #tpu.memory_space<vmem>>, vector<8x20480xf32>
        %get3A_219 = arith.constant 0 : index
        %get3A_220 = arith.constant 0 : index
        %get3A_221 = vector.load %arg6[%get3A_219, %get3A_220] : memref<8x20480xf32, #tpu.memory_space<vmem>>, vector<8x20480xf32>
        %get3A_222 = arith.constant 0 : index
        %get3A_223 = arith.constant 0 : index
        %get3A_224 = vector.load %arg7[%get3A_222, %get3A_223] : memref<8x20480xf32, #tpu.memory_space<vmem>>, vector<8x20480xf32>
        %get3A_225 = arith.constant 0 : index
        %get3A_226 = arith.constant 0 : index
        %get3A_227 = vector.load %arg8[%get3A_225, %get3A_226] : memref<8x20480xf32, #tpu.memory_space<vmem>>, vector<8x20480xf32>
        %jit3A_228 = arith.constant 0xFF800000 : f32
        %broadcast_in_dim3A_229 = vector.broadcast %jit3A_228 : f32 to vector<8x20480xf32>
        %select_n3A_230 = arith.select %eq3A_215, %get3A_218, %broadcast_in_dim3A_229 : vector<8x20480xi1>, vector<8x20480xf32>
        %reduce_max3A_231 = arith.constant dense<0xFF800000> : vector<8xf32>
        %reduce_max3A_232 = vector.multi_reduction <maximumf>, %select_n3A_230, %reduce_max3A_231 [1] : vector<8x20480xf32> to vector<8xf32>
        %broadcast_in_dim3A_233 = vector.shape_cast %reduce_max3A_232 : vector<8xf32> to vector<8x1xf32>
        %jit3A_234 = arith.constant 0xFF800000 : f32
        %broadcast_in_dim3A_235 = vector.broadcast %jit3A_234 : f32 to vector<8x20480xf32>
        %select_n3A_236 = arith.select %eq3A_215, %get3A_221, %broadcast_in_dim3A_235 : vector<8x20480xi1>, vector<8x20480xf32>
        %reduce_max3A_237 = arith.constant dense<0xFF800000> : vector<8xf32>
        %reduce_max3A_238 = vector.multi_reduction <maximumf>, %select_n3A_236, %reduce_max3A_237 [1] : vector<8x20480xf32> to vector<8xf32>
        %broadcast_in_dim3A_239 = vector.shape_cast %reduce_max3A_238 : vector<8xf32> to vector<8x1xf32>
        %jit3A_240 = arith.constant 0xFF800000 : f32
        %broadcast_in_dim3A_241 = vector.broadcast %jit3A_240 : f32 to vector<8x20480xf32>
        %select_n3A_242 = arith.select %eq3A_215, %get3A_224, %broadcast_in_dim3A_241 : vector<8x20480xi1>, vector<8x20480xf32>
        %reduce_max3A_243 = arith.constant dense<0xFF800000> : vector<8xf32>
        %reduce_max3A_244 = vector.multi_reduction <maximumf>, %select_n3A_242, %reduce_max3A_243 [1] : vector<8x20480xf32> to vector<8xf32>
        %broadcast_in_dim3A_245 = vector.shape_cast %reduce_max3A_244 : vector<8xf32> to vector<8x1xf32>
        %jit3A_246 = arith.constant 0xFF800000 : f32
        %broadcast_in_dim3A_247 = vector.broadcast %jit3A_246 : f32 to vector<8x20480xf32>
        %select_n3A_248 = arith.select %eq3A_215, %get3A_227, %broadcast_in_dim3A_247 : vector<8x20480xi1>, vector<8x20480xf32>
        %reduce_max3A_249 = arith.constant dense<0xFF800000> : vector<8xf32>
        %reduce_max3A_250 = vector.multi_reduction <maximumf>, %select_n3A_248, %reduce_max3A_249 [1] : vector<8x20480xf32> to vector<8xf32>
        %broadcast_in_dim3A_251 = vector.shape_cast %reduce_max3A_250 : vector<8xf32> to vector<8x1xf32>
        %max3A_252 = vector.broadcast %broadcast_in_dim3A_233 : vector<8x1xf32> to vector<8x20480xf32>
        %max3A_253 = arith.maximumf %max3A_252, %get3A_218 : vector<8x20480xf32>
        %max3A_254 = vector.broadcast %broadcast_in_dim3A_239 : vector<8x1xf32> to vector<8x20480xf32>
        %max3A_255 = arith.maximumf %max3A_254, %get3A_221 : vector<8x20480xf32>
        %min3A_256 = vector.broadcast %broadcast_in_dim3A_245 : vector<8x1xf32> to vector<8x20480xf32>
        %min3A_257 = arith.minimumf %min3A_256, %get3A_224 : vector<8x20480xf32>
        %min3A_258 = vector.broadcast %broadcast_in_dim3A_251 : vector<8x1xf32> to vector<8x20480xf32>
        %min3A_259 = arith.minimumf %min3A_258, %get3A_227 : vector<8x20480xf32>
        %sub3A_260 = arith.subf %min3A_257, %max3A_253 : vector<8x20480xf32>
        %jit3A_261 = arith.constant 0.000000e+00 : f32
        %max3A_262 = vector.broadcast %jit3A_261 : f32 to vector<8x20480xf32>
        %max3A_263 = arith.maximumf %max3A_262, %sub3A_260 : vector<8x20480xf32>
        %sub3A_264 = arith.subf %min3A_259, %max3A_255 : vector<8x20480xf32>
        %jit3A_265 = arith.constant 0.000000e+00 : f32
        %max3A_266 = vector.broadcast %jit3A_265 : f32 to vector<8x20480xf32>
        %max3A_267 = arith.maximumf %max3A_266, %sub3A_264 : vector<8x20480xf32>
        %mul3A_268 = arith.mulf %max3A_263, %max3A_267 : vector<8x20480xf32>
        %sub3A_269 = arith.subf %broadcast_in_dim3A_245, %broadcast_in_dim3A_233 : vector<8x1xf32>
        %jit3A_270 = arith.constant 0.000000e+00 : f32
        %max3A_271 = vector.broadcast %jit3A_270 : f32 to vector<8x1xf32>
        %max3A_272 = arith.maximumf %max3A_271, %sub3A_269 : vector<8x1xf32>
        %sub3A_273 = arith.subf %broadcast_in_dim3A_251, %broadcast_in_dim3A_239 : vector<8x1xf32>
        %jit3A_274 = arith.constant 0.000000e+00 : f32
        %max3A_275 = vector.broadcast %jit3A_274 : f32 to vector<8x1xf32>
        %max3A_276 = arith.maximumf %max3A_275, %sub3A_273 : vector<8x1xf32>
        %mul3A_277 = arith.mulf %max3A_272, %max3A_276 : vector<8x1xf32>
        %get3A_278 = arith.constant 0 : index
        %get3A_279 = arith.constant 0 : index
        %get3A_280 = vector.load %arg9[%get3A_278, %get3A_279] : memref<8x20480xf32, #tpu.memory_space<vmem>>, vector<8x20480xf32>
        %add3A_281 = vector.broadcast %mul3A_277 : vector<8x1xf32> to vector<8x20480xf32>
        %add3A_282 = arith.addf %add3A_281, %get3A_280 : vector<8x20480xf32>
        %sub3A_283 = arith.subf %add3A_282, %mul3A_268 : vector<8x20480xf32>
        %add3A_284 = arith.constant 9.99999971E-10 : f32
        %add3A_285 = vector.broadcast %add3A_284 : f32 to vector<8x20480xf32>
        %add3A_286 = arith.addf %sub3A_283, %add3A_285 : vector<8x20480xf32>
        %div3A_287 = arith.divf %mul3A_268, %add3A_286 : vector<8x20480xf32>
        %gt3A_288 = arith.constant 6.500000e-01 : f32
        %gt3A_289 = vector.broadcast %gt3A_288 : f32 to vector<8x20480xf32>
        %gt3A_290 = arith.cmpf ogt, %div3A_287, %gt3A_289 : vector<8x20480xf32>
        %or3A_291 = arith.ori %gt3A_290, %eq3A_215 : vector<8x20480xi1>
        %and3A_292 = vector.broadcast %gt3A_207 : vector<8x1xi1> to vector<8x20480xi1>
        %and3A_293 = arith.andi %and3A_292, %or3A_291 : vector<8x20480xi1>
        %jit3A_294 = arith.constant 0xFF800000 : f32
        %broadcast_in_dim3A_295 = vector.broadcast %jit3A_294 : f32 to vector<8x20480xf32>
        %select_n3A_296 = arith.select %and3A_293, %broadcast_in_dim3A_295, %get3A_201 : vector<8x20480xi1>, vector<8x20480xf32>
        %swap3A_297 = arith.constant 0 : index
        %swap3A_298 = arith.constant 0 : index
        %swap3A_299 = vector.load %arg10[%swap3A_297, %swap3A_298] : memref<8x20480xf32, #tpu.memory_space<vmem>>, vector<8x20480xf32>
        tpu.vector_store %arg10[%swap3A_297, %swap3A_298], %select_n3A_296 {strides = array<i32>} : memref<8x20480xf32, #tpu.memory_space<vmem>>, vector<8x20480xf32>,
        %concatenate3A = tpu.concatenate %broadcast_in_dim3A_233, %broadcast_in_dim3A_239, %broadcast_in_dim3A_245, %broadcast_in_dim3A_251, %broadcast_in_dim3A_204 in 1 : vector<8x1xf32>, vector<8x1xf32>, vector<8x1xf32>, vector<8x1xf32>, vector<8x1xf32> -> vector<8x5xf32>
        %jit3A_300 = arith.constant 0.000000e+00 : f32
        %broadcast_in_dim3A_301 = vector.shape_cast %gt3A_207 : vector<8x1xi1> to vector<8x1xi1>
        %broadcast_in_dim3A_302 = vector.broadcast %broadcast_in_dim3A_301 : vector<8x1xi1> to vector<8x5xi1>
        %broadcast_in_dim3A_303 = vector.broadcast %jit3A_300 : f32 to vector<8x5xf32>
        %select_n3A_304 = arith.select %broadcast_in_dim3A_302, %concatenate3A, %broadcast_in_dim3A_303 : vector<8x5xi1>, vector<8x5xf32>
        %swap3A_305 = arith.index_cast %scan3A_198 : i32 to index
        %swap3A_306 = arith.constant 0 : index
        %swap3A_307 = arith.constant 0 : index
        %swap3A_308 = vector.load %arg4[%swap3A_305, %swap3A_306, %swap3A_307] : memref<100x8x5xf32, #tpu.memory_space<vmem>>, vector<1x8x5xf32>
        %swap3A_309 = vector.shape_cast %swap3A_308 : vector<1x8x5xf32> to vector<8x5xf32>
        %swap3A_310 = vector.shape_cast %select_n3A_304 : vector<8x5xf32> to vector<1x8x5xf32>
        tpu.vector_store %arg4[%swap3A_305, %swap3A_306, %swap3A_307], %swap3A_310 {strides = array<i32>} : memref<100x8x5xf32, #tpu.memory_space<vmem>>, vector<1x8x5xf32>,
      }
      %scan3A_197 = arith.constant 100 : i32
    } else {
    }
    return
  }
}

module attributes {stable_mosaic.version = 14 : i64} {
  func.func @_thresh_body(%arg0: memref<7x8x20480xf32, #tpu.memory_space<vmem>>, %arg1: memref<8x128xf32, #tpu.memory_space<vmem>>, %arg2: memref<8x128xi32, #tpu.memory_space<vmem>>, %arg3: memref<8x20480xf32, #tpu.memory_space<vmem>>) attributes {dimension_semantics = [], scalar_prefetch = 0 : i64, scratch_operands = 1 : i64, tpu.core_type = #tpu.core_type<tc>} {
    %get3A = arith.constant 4 : index
    %get3A_0 = arith.constant 0 : index
    %get3A_1 = arith.constant 0 : index
    %get3A_2 = vector.load %arg0[%get3A, %get3A_0, %get3A_1] : memref<7x8x20480xf32, #tpu.memory_space<vmem>>, vector<1x8x20480xf32>
    %get3A_3 = vector.shape_cast %get3A_2 : vector<1x8x20480xf32> to vector<8x20480xf32>
    %get3A_4 = arith.constant 5 : index
    %get3A_5 = arith.constant 0 : index
    %get3A_6 = arith.constant 0 : index
    %get3A_7 = vector.load %arg0[%get3A_4, %get3A_5, %get3A_6] : memref<7x8x20480xf32, #tpu.memory_space<vmem>>, vector<1x8x20480xf32>
    %get3A_8 = vector.shape_cast %get3A_7 : vector<1x8x20480xf32> to vector<8x20480xf32>
    %get3A_9 = arith.constant 6 : index
    %get3A_10 = arith.constant 0 : index
    %get3A_11 = arith.constant 0 : index
    %get3A_12 = vector.load %arg0[%get3A_9, %get3A_10, %get3A_11] : memref<7x8x20480xf32, #tpu.memory_space<vmem>>, vector<1x8x20480xf32>
    %get3A_13 = vector.shape_cast %get3A_12 : vector<1x8x20480xf32> to vector<8x20480xf32>
    %max3A = arith.maximumf %get3A_8, %get3A_13 : vector<8x20480xf32>
    %mul3A = arith.mulf %get3A_3, %max3A : vector<8x20480xf32>
    %swap3A = arith.constant 0 : index
    %swap3A_14 = arith.constant 0 : index
    %swap3A_15 = vector.load %arg3[%swap3A, %swap3A_14] : memref<8x20480xf32, #tpu.memory_space<vmem>>, vector<8x20480xf32>
    tpu.vector_store %arg3[%swap3A, %swap3A_14], %mul3A {strides = array<i32>} : memref<8x20480xf32, #tpu.memory_space<vmem>>, vector<8x20480xf32>,
    %ge3A = arith.constant 0.00999999977 : f32
    %ge3A_16 = vector.broadcast %ge3A : f32 to vector<8x20480xf32>
    %ge3A_17 = arith.cmpf oge, %mul3A, %ge3A_16 : vector<8x20480xf32>
    %convert_element_type3A = arith.extui %ge3A_17 : vector<8x20480xi1> to vector<8x20480xi32>
    %reduce_sum3A = arith.constant dense<0> : vector<8xi32>
    %reduce_sum3A_18 = vector.multi_reduction <add>, %convert_element_type3A, %reduce_sum3A [1] : vector<8x20480xi32> to vector<8xi32>
    %broadcast_in_dim3A = vector.shape_cast %reduce_sum3A_18 : vector<8xi32> to vector<8x1xi32>
    %broadcast_in_dim3A_19 = arith.constant 0.00999999977 : f32
    %broadcast_in_dim3A_20 = vector.broadcast %broadcast_in_dim3A_19 : f32 to vector<8x1xf32>
    %broadcast_in_dim3A_21 = arith.constant 1.000000e+00 : f32
    %broadcast_in_dim3A_22 = vector.broadcast %broadcast_in_dim3A_21 : f32 to vector<8x1xf32>
    %scan3A = arith.constant 0 : i32
    %scan3A_23 = arith.constant 16 : i32
    %scan3A_24 = arith.addi %scan3A, %scan3A_23 : i32
    %scan3A_25 = arith.constant 1 : i32
    %scan3A_26:2 = scf.for %scan3A_40 = %scan3A to %scan3A_24 step %scan3A_25 iter_args(%scan3A_41 = %broadcast_in_dim3A_20, %scan3A_42 = %broadcast_in_dim3A_22) -> (vector<8x1xf32>, vector<8x1xf32>)  : i32 {
      %add3A = arith.addf %scan3A_41, %scan3A_42 : vector<8x1xf32>
      %mul3A_43 = arith.constant 5.000000e-01 : f32
      %mul3A_44 = vector.broadcast %mul3A_43 : f32 to vector<8x1xf32>
      %mul3A_45 = arith.mulf %add3A, %mul3A_44 : vector<8x1xf32>
      %get3A_46 = arith.constant 0 : index
      %get3A_47 = arith.constant 0 : index
      %get3A_48 = vector.load %arg3[%get3A_46, %get3A_47] : memref<8x20480xf32, #tpu.memory_space<vmem>>, vector<8x20480xf32>
      %ge3A_49 = vector.broadcast %mul3A_45 : vector<8x1xf32> to vector<8x20480xf32>
      %ge3A_50 = arith.cmpf oge, %get3A_48, %ge3A_49 : vector<8x20480xf32>
      %convert_element_type3A_51 = arith.extui %ge3A_50 : vector<8x20480xi1> to vector<8x20480xi32>
      %reduce_sum3A_52 = arith.constant dense<0> : vector<8xi32>
      %reduce_sum3A_53 = vector.multi_reduction <add>, %convert_element_type3A_51, %reduce_sum3A_52 [1] : vector<8x20480xi32> to vector<8xi32>
      %broadcast_in_dim3A_54 = vector.shape_cast %reduce_sum3A_53 : vector<8xi32> to vector<8x1xi32>
      %le3A_55 = arith.constant 512 : i32
      %le3A_56 = vector.broadcast %le3A_55 : i32 to vector<8x1xi32>
      %le3A_57 = arith.cmpi sle, %broadcast_in_dim3A_54, %le3A_56 : vector<8x1xi32>
      %select_n3A_58 = arith.select %le3A_57, %scan3A_41, %mul3A_45 : vector<8x1xi1>, vector<8x1xf32>
      %select_n3A_59 = arith.select %le3A_57, %mul3A_45, %scan3A_42 : vector<8x1xi1>, vector<8x1xf32>
      scf.yield %select_n3A_58, %select_n3A_59 : vector<8x1xf32>, vector<8x1xf32>
    }
    %le3A = arith.constant 512 : i32
    %le3A_27 = vector.broadcast %le3A : i32 to vector<8x1xi32>
    %le3A_28 = arith.cmpi sle, %broadcast_in_dim3A, %le3A_27 : vector<8x1xi32>
    %jit3A = arith.constant 0.00999999977 : f32
    %broadcast_in_dim3A_29 = vector.broadcast %jit3A : f32 to vector<8x1xf32>
    %select_n3A = arith.select %le3A_28, %broadcast_in_dim3A_29, %scan3A_26#1 : vector<8x1xi1>, vector<8x1xf32>
    %broadcast_in_dim3A_30 = vector.shape_cast %select_n3A : vector<8x1xf32> to vector<8x1xf32>
    %broadcast_in_dim3A_31 = vector.broadcast %broadcast_in_dim3A_30 : vector<8x1xf32> to vector<8x128xf32>
    %swap3A_32 = arith.constant 0 : index
    %swap3A_33 = arith.constant 0 : index
    %swap3A_34 = vector.load %arg1[%swap3A_32, %swap3A_33] : memref<8x128xf32, #tpu.memory_space<vmem>>, vector<8x128xf32>
    tpu.vector_store %arg1[%swap3A_32, %swap3A_33], %broadcast_in_dim3A_31 {strides = array<i32>} : memref<8x128xf32, #tpu.memory_space<vmem>>, vector<8x128xf32>,
    %broadcast_in_dim3A_35 = vector.shape_cast %broadcast_in_dim3A : vector<8x1xi32> to vector<8x1xi32>
    %broadcast_in_dim3A_36 = vector.broadcast %broadcast_in_dim3A_35 : vector<8x1xi32> to vector<8x128xi32>
    %swap3A_37 = arith.constant 0 : index
    %swap3A_38 = arith.constant 0 : index
    %swap3A_39 = vector.load %arg2[%swap3A_37, %swap3A_38] : memref<8x128xi32, #tpu.memory_space<vmem>>, vector<8x128xi32>
    tpu.vector_store %arg2[%swap3A_37, %swap3A_38], %broadcast_in_dim3A_36 {strides = array<i32>} : memref<8x128xi32, #tpu.memory_space<vmem>>, vector<8x128xi32>,
    return
  }
}

</mosaic_0001>

<sc_bundles>
// kernel: kernel.5.cloned.1.call-start
scs
__scs_entry_jumppad:
0x0: {  	(pc) =	sbr.rel $0x88, $3  }
0x1: {  	(tag) =	ssettag $0x0;
	lr =	simm.s32 $0x1  }
0x2: {  	[smem:$0x3FA0] =	sst lr;
	_ =	strace $0xD0000000  }
0x3: {  	_ = 	snop  }
0x4: {  	_ = 	snop  }
0x5: {  	_ = 	snop  }
0x6: {  	_ = 	snop  }
0x7: {  	_ = 	snop  }
__scs_overlays_trampoline_lowered:
0x8: {  	[smem:$0x3FAF] =	sst s0  }
0x9: {  	[smem:$0x3FB0] =	sst s1  }
0xa: {  	[smem:$0x3FB1] =	sst s2  }
0xb: {  	[smem:$0x3FB2] =	sst s3  }
0xc: {  	[smem:$0x3FB3] =	sst s4  }
0xd: {  	[smem:$0x3FB4] =	sst s5  }
0xe: {  	[smem:$0x3FB5] =	sst s6  }
0xf: {  	[smem:$0x3FB6] =	sst s7  }
0x10: {  	[smem:$0x3FB7] =	sst s8  }
0x11: {  	[smem:$0x3FB8] =	sst s9;
	s0 =	simm.s32 @!p0 $0x0  }
0x12: {  	s1 =	sld [smem:$0x3F9E];
	s0 =	simm.s32 @p0 $0x1  }
0x13: {  	[smem:$0x3FB9] =	sst s0;
	s0 =	simm.s32 @!p1 $0x0  }
0x14: {  	s2 =	sld [smem:$0x3F9D];
	s0 =	simm.s32 @p1 $0x1  }
0x15: {  	[smem:$0x3FBA] =	sst s0;
	s0 =	simm.s32 @!p2 $0x0  }
0x16: {  	s3 =	sld [smem:$0x3FDB];
	s0 =	simm.s32 @p2 $0x1  }
0x17: {  	s4 =	simm.s32 $0x1BF5;
	[smem:$0x3FBC] =	sst s0  }
0x18: {  	s0 =	sld [smem:$0x3F9F];
	_ =	swait.ge [sflag:s4], $0x0  }
0x19: {  	s7 =	sld [smem:$0x3FA0]  }
0x1a: {  	s8 =	sadd.s32 $0xFFFFE003, lr  }
0x1b: {  	s9 =	sadd.s32 $0xFFFFFEF7, lr;
	s5 =	simm.s32 $0xFFFFFFFF;
	p2 =	slt.u32 s8, $0xFFFFF086  }
0x1c: {  	p1 =	slt.u32 s9, $0xF7A;
	s5 =	simm.s32 @!p2 $0x0  }
0x1d: {  	s5 =	simm.s32 @p1 $0x1;
	p0 =	seq.s32 s7, s2  }
0x1e: {  	s7 =	smul.u32 @!p0 $0xF7A, s2;
	p2 =	seq.s32 @!p0 s5, $0x0  }
0x1f: {  	s9 =	smul.u32 $0xF7A, s1;
	s8 =	simm.s32 @!p0 $0x1BF5;
	p2 =	por !p2, p0  }
0x20: {  	[sflag:s8] =	ssyncset.s32 @!p0 $0xFFFFF086;
	s6 =	sadd.s32 @!p0 s3, s7;
	s7 =	simm.s32 @!p0 $0x108  }
0x21: {  	s3 =	sadd.s32 s3, s9;
	s6 =	sadd.s32 @!p0 $0x88, s6;
	s7 =	simm.s32 @p2 $0x1082  }
0x22: {  	[simem:s7], [sflag:s8] =	dma.local @!p0 [hbm:s6], $0xF7A  }
0x23: {  	s9 =	sor.u32 $0xD0000000, s2;
	s6 =	simm.s32 $0x108;
	_ =	swait.ge @!p0 [sflag:s8], $0x0  }
0x24: {  	s3 =	sadd.s32 $0x88, s3;
	s6 =	simm.s32 @!p1 $0x1082;
	[sflag:s4] =	ssyncset.s32 $0xFFFFF086  }
0x25: {  	[simem:s6], [sflag:s4] =	dma.local [hbm:s3], $0xF7A  }
0x26: {  	[smem:$0x3FA0] =	sst s1;
	(tag) =	ssettag s2;
	_ =	strace s9  }
0x27: {  	s1 =	sld [smem:$0x3FB0]  }
0x28: {  	s2 =	sld [smem:$0x3FB1]  }
0x29: {  	s4 =	sld [smem:$0x3FB3]  }
0x2a: {  	p0 =	seq.s32 s5, $0x0;
	s5 =	sld [smem:$0x3FB4]  }
0x2b: {  	s6 =	sld [smem:$0x3FB5]  }
0x2c: {  	s7 =	sld [smem:$0x3FB6]  }
0x2d: {  	s3 =	simm.s32 $0x108;
	s8 =	sld [smem:$0x3FB7]  }
0x2e: {  	s3 =	simm.s32 @!p0 $0x1082;
	s9 =	sld [smem:$0x3FB8]  }
0x2f: {  	lr =	sadd.s32 s0, s3;
	s0 =	sld [smem:$0x3FAF]  }
0x30: {  	s3 =	sld [smem:$0x3FB2]  }
0x31: {  	[smem:$0x3FBB] =	sst s10  }
0x32: {  	s10 =	sld [smem:$0x3FB9];
	_ =	sdelay $0x3  }
0x33: {  	p0 =	seq.s32 s10, $0x1;
	s10 =	sld [smem:$0x3FBB];
	_ =	sdelay $0x3  }
0x34: {  	[smem:$0x3FBB] =	sst s10  }
0x35: {  	s10 =	sld [smem:$0x3FBA];
	_ =	sdelay $0x3  }
0x36: {  	p1 =	seq.s32 s10, $0x1;
	s10 =	sld [smem:$0x3FBB];
	_ =	sdelay $0x3  }
0x37: {  	[smem:$0x3FBB] =	sst s10  }
0x38: {  	s10 =	sld [smem:$0x3FBC]  }
0x39: {  	_ = 	snop;
	(pc) =	sbr.ind lr, $3  }
0x3a: {  	_ = 	snop  }
0x3b: {  	_ = 	snop  }
0x3c: {  	p2 =	seq.s32 s10, $0x1;
	s10 =	sld [smem:$0x3FBB]  }
0x3d: {  	_ =	shalt  }
0x3e: {  	_ =	shalt  }
0x3f: {  	_ =	shalt  }
0x40: {  	_ =	shalt  }
0x41: {  	_ =	shalt  }
0x42: {  	_ =	shalt  }
0x43: {  	_ =	shalt  }
0x44: {  	_ =	shalt  }
0x45: {  	_ =	shalt  }
0x46: {  	_ =	shalt  }
0x47: {  	_ =	shalt  }
0x48: {  	_ =	shalt  }
0x49: {  	_ =	shalt  }
0x4a: {  	_ =	shalt  }
0x4b: {  	_ =	shalt  }
0x4c: {  	_ =	shalt  }
0x4d: {  	_ =	shalt  }
0x4e: {  	_ =	shalt  }
0x4f: {  	_ =	shalt  }
0x50: {  	_ =	shalt  }
0x51: {  	_ =	shalt  }
0x52: {  	_ =	shalt  }
0x53: {  	_ =	shalt  }
0x54: {  	_ =	shalt  }
0x55: {  	_ =	shalt  }
0x56: {  	_ =	shalt  }
0x57: {  	_ =	shalt  }
0x58: {  	_ =	shalt  }
0x59: {  	_ =	shalt  }
0x5a: {  	_ =	shalt  }
0x5b: {  	_ =	shalt  }
0x5c: {  	_ =	shalt  }
0x5d: {  	_ =	shalt  }
0x5e: {  	_ =	shalt  }
0x5f: {  	_ =	shalt  }
0x60: {  	_ =	shalt  }
0x61: {  	_ =	shalt  }
0x62: {  	_ =	shalt  }
0x63: {  	_ =	shalt  }
0x64: {  	_ =	shalt  }
0x65: {  	_ =	shalt  }
0x66: {  	_ =	shalt  }
0x67: {  	_ =	shalt  }
0x68: {  	_ =	shalt  }
0x69: {  	_ =	shalt  }
0x6a: {  	_ =	shalt  }
0x6b: {  	_ =	shalt  }
0x6c: {  	_ =	shalt  }
0x6d: {  	_ =	shalt  }
0x6e: {  	_ =	shalt  }
0x6f: {  	_ =	shalt  }
0x70: {  	_ =	shalt  }
0x71: {  	_ =	shalt  }
0x72: {  	_ =	shalt  }
0x73: {  	_ =	shalt  }
0x74: {  	_ =	shalt  }
0x75: {  	_ =	shalt  }
0x76: {  	_ =	shalt  }
0x77: {  	_ =	shalt  }
0x78: {  	_ =	shalt  }
0x79: {  	_ =	shalt  }
0x7a: {  	_ =	shalt  }
0x7b: {  	_ =	shalt  }
0x7c: {  	_ =	shalt  }
0x7d: {  	_ =	shalt  }
0x7e: {  	_ =	shalt  }
0x7f: {  	_ =	shalt  }
0x80: {  	_ =	shalt  }
0x81: {  	_ =	shalt  }
0x82: {  	_ =	shalt  }
0x83: {  	_ =	shalt  }
0x84: {  	_ =	shalt  }
0x85: {  	_ =	shalt  }
0x86: {  	_ =	shalt  }
0x87: {  	_ =	shalt  }
.Lfunc_end0:
.L_simem_size_0:
called_computation_lowered:
.L_overlay_start_0:
0x88: {  	s2 =	sld [smem:$0x3FD9]  }
0x89: {  	s3 =	sld [smem:$0x3FFE];
	_ =	sdelay $0x1  }
0x8a: {  	s1 =	srdreg.scid  }
0x8b: {  	s0 =	sand.u32 $0x1, s1  }
0x8c: {  	s17 =	sshll.u32 s0, $0xA;
	s2 =	sadd.s32 s3, s2  }
0x8d: {  	s2 =	sadd.s32 s2, s17  }
0x8e: {  	[smem:$0x3FC7] =	sst s2  }
0x8f: {  	_ = 	snop  }
0x90: {  	s2 =	sld [smem:$0x3FD0];
	(tm) =	ssettm $0x1  }
0x91: {  	s18 =	sld [smem:$0x3FFB];
	_ =	sdelay $0x3  }
0x92: {  	_ =	strace s18  }
0x93: {  	s3 =	sld [smem:$0x3FFC];
	_ =	sdelay $0x3  }
0x94: {  	_ =	strace s3  }
0x95: {  	s3 =	sld [smem:$0x3FFD];
	_ =	sdelay $0x3  }
0x96: {  	_ =	strace s3  }
0x97: {  	_ =	strace $0x8FFFFFFF  }
0x98: {  	s19 =	sld [smem:$0x3FDB];
	_ =	sdelay $0x1  }
0x99: {  	s4 =	simm.s32 $_scs_section_size  }
0x9a: {  	s5 =	simm.s32 $_size__tile_overlayer_lowered;
	s6 =	simm.s32 $_tile_overlayer_lowered  }
0x9b: {  	s22 =	simm.s32 $0x1BFF;
	s21 =	sshll.u32 s6, $0x1;
	s3 =	sadd.s32 s4, s19  }
0x9c: {  	s7 =	simm.s32 $0x0;
	s20 =	sshll.u32 s5, $0x1;
	s5 =	sadd.s32 s21, s3  }
0x9d: {  	[timem:s7], [sflag:s22] =	dma.local [hbm:s5], s20  }
0x9e: {  	_ =	swait.ge [sflag:s22], s20  }
0x9f: {  	s4 =	ssub.s32 $0x0, s20;
	[sflag:s22] =	ssyncset.done $0x0  }
0xa0: {  	[sflag:s22] =	ssyncadd.s32 s4;
	_ =	sdelay $0x1  }
0xa1: {  	s23 =	simm.s32 $0x1B8B  }
0xa2: {  	_ =	swait.ge [sflag:s23], $0x1  }
0xa3: {  	[sflag:s23] =	ssyncset.done $0x0  }
0xa4: {  	s25 =	simm.s32 $0x1B8E;
	s24 =	sld [smem:$0x3FFE];
	[sflag:s23] =	ssyncadd.s32 $0xFFFFFFFF  }
0xa5: {  	s26 =	simm.s32 $execute0_lowered;
	[smem:$0x3FD2] =	sst s25  }
0xa6: {  	s5 =	sshll.u32 s26, $0x1;
	_ =	strace $0x80000046;
	[dreg:$0x1] =	wrdreg $0xFFFFFFFF  }
0xa7: {  	s28 =	simm.s32 $_size_execute0_lowered;
	s3 =	sadd.s32 s3, s5;
	[dreg:$0x0] =	wrdreg $0x0  }
0xa8: {  	s5 =	sshll.u32 s28, $0x1;
	[dreg:$0x2] =	wrdreg s3  }
0xa9: {  	[dreg:$0x3] =	wrdreg s5  }
0xaa: {  	[dreg:$0x4] =	wrdreg $0xC0  }
0xab: {  	_ =	task [dreg:s7], $0x5FFFF  }
0xac: {  	[dreg:$0x1] =	wrdreg $0xFFFFFFFF  }
0xad: {  	[dreg:$0x0] =	wrdreg $0x60  }
0xae: {  	[dreg:$0x2] =	wrdreg s24  }
0xaf: {  	[dreg:$0x3] =	wrdreg s2  }
0xb0: {  	[dreg:$0x4] =	wrdreg $0x9  }
0xb1: {  	_ =	task.clear_ibuf [dreg:s7], $0x5FFFF;
	_ =	strace $0x90000046  }
0xb2: {  	s29 =	simm.s32 $0x9;
	_ =	strace $0x80000048  }
0xb3: {  	_ =	swait.ge [sflag:s29], $0x1  }
0xb4: {  	[sflag:s29] =	ssyncadd.s32 $0xFFFFFFFF  }
0xb5: {  	_ =	strace $0x90000048  }
0xb6: {  	_ =	sfence  }
0xb7: {  	s30 =	sld [smem:$0x0];
	_ =	sdelay $0x2  }
0xb8: {  	s31 =	sshll.u32 s1, $0xD;
	s1 =	sshrl.u32 s1, $0x2  }
0xb9: {  	s3 =	sand.u32 $0x4000, s31;
	s1 =	sadd.s32 s1, s30  }
0xba: {  	s0 =	sor.u32 s3, s0;
	s1 =	sshll.u32 s1, $0x11  }
0xbb: {  	s0 =	sor.u32 s1, s0  }
0xbc: {  	s0 =	sadd.s32 $0x8F2B, s0  }
0xbd: {  	[sflag:s0] =	ssyncadd.remote.s32 $0x1  }
0xbe: {  	_ =	sfence.sel $0xFFFF  }
0xbf: {  	[dreg:$0x0] =	wrdreg $0xFFFFFFFF;
	(pc) =	sbr.abs _section_cstart, $3  }
0xc0: {  	[dreg:$0x1] =	wrdreg $0xFFFFFFFF  }
0xc1: {  	_ =	task.clear_ibuf [dreg:s7], $0x2FFFF;
	_ =	strace $0x9FFFFFFF  }
0xc2: {  	(tm) =	ssettm $0x7FFFFFFF  }
0xc3: {  	_ =	shalt  }
tec
execute0_lowered:
.L_overlay_start_1:
0x0: {  	(tag) =	ssettag $0x1  }
0x1: {  	s0 =	stileid.u32  }
0x2: {  	s1 =	srdreg.scid;
	s4 =	rddreg [dreg:$0x0]  }
0x3: {  	s6 =	rddreg [dreg:$0x1];
	s13 =	simm.s32 $0x28000;
	s14 =	simm.s32 $0x1  }
0x4: {  	s15 =	simm.s32 $0xA000;
	s16 =	simm.s32 $0x400;
	s17 =	simm.s32 $0xA080  }
0x5: {  	s18 =	simm.s32 $0xA200;
	s19 =	simm.s32 $0xA380;
	s20 =	simm.s32 $0xA500  }
0x6: {  	s21 =	simm.s32 $0xA680;
	s22 =	simm.s32 $0xA800;
	s23 =	simm.s32 $0x0  }
0x7: {  	s2 =	sshll.u32 s0, $0x1;
	s3 =	sand.u32 $0x1, s1;
	s7 =	sshll.u32 s0, $0x6  }
0x8: {  	s1 =	rddreg [dreg:$0x2];
	s30 =	sand.u32 $0x2, s2;
	s2 =	simm.s32 $0x0  }
0x9: {  	s7 =	sand.u32 $0x380, s7;
	s5 =	sor.u32 s3, s30;
	[smem:$0x7FF] =	sst s2  }
0xa: {  	s3 =	ssub.s32 $0x2, s3;
	s31 =	sshrl.u32 s7, $0x3;
	s8 =	smul.u32 $0xA000, s5  }
0xb: {  	_ =	strace $0x80000047;
	s9 =	sshll.u32 s5, $0xB;
	s5 =	sshll.u32 s5, $0x4  }
0xc: {  	s10 =	sshrl.u32 s3, $0x1;
	s9 =	sor.u32 s7, s9;
	s5 =	sor.u32 s7, s5  }
0xd: {  	s12 =	ssub.s32 s3, s10;
	s8 =	sor.u32 s7, s8;
	s9 =	sshrl.u32 s9, $0x3  }
0xe: {  	s5 =	sshrl.u32 s5, $0x3;
	s8 =	sshrl.u32 s8, $0x3;
	s9 =	sadd.s32 s9, s4  }
0xf: {  	s11 =	sadd.s32 s5, s4;
	s8 =	sadd.s32 s8, s4;
	s4 =	sadd.s32 s6, s31  }
0x10: {  	s5 =	sadd.s32 $0x24400, s9;
	s6 =	sadd.s32 $0x24800, s9;
	s7 =	sadd.s32 $0x24C00, s9  }
0x11: {  	s10 =	sadd.s32 $0x25800, s11;
	s11 =	smax.u32 s12, $0x1;
	s12 =	simm.s32 $0x80  }
0x12: {  	v0 =	vimm.f32 $0.0e+00;
	v1 =	vimm.f32 $-Inf;
	s3 =	sadd.s32 $0x1400, s8;
	s8 =	sadd.s32 $0x25000, s9;
	s9 =	sadd.s32 $0x25400, s9  }
.LBB2_1:
0x13: {  	s24 =	simm.s32 $0x80  }
0x14: {  	s28 =	sadd.s32 $0x0, s3;
	s25 =	simm.s32 $0x400;
	s26 =	simm.s32 $0x0  }
.LBB2_2:
0x15: {  	[tilespmem:s26], [sflag:$0x1] =	stream.strided.gather [hbm4b:s28+s12], $0x380, s13, s12, $0x38;
	[tilespmem:$0xA880] =	vst v63  }
0x16: {  	s28 =	smov.u32 s24;
	s26 =	smov.u32 s25;
	p0 =	sne.s32 s24, $0x1380  }
.Ltmp0:
0x17: {  	s24 =	sadd.s32 $0x80, s24;
	(pc) =	sbr.rel @p0 .LBB2_2-.Ltmp0, $2  }
0x18: {  	_ =	sdelay $0x2  }
0x19: {  	s25 =	sadd.s32 $0x400, s25;
	s28 =	sadd.s32 s28, s3  }
0x1a: {  	[tilespmem:s26], [sflag:$0x1] =	stream.strided.gather [hbm4b:s28+s12], $0x380, s13, s12, $0x38;
	[tilespmem:$0xA880] =	vst v63  }
0x1b: {  	_ =	swait.ge [sflag:s14], $0x8C00  }
0x1c: {  	[sflag:s14] =	ssyncset.done $0x0  }
0x1d: {  	s24 =	simm.s32 $0x0;
	[sflag:s14] =	ssyncadd.s32 $0xFFFF7400  }
0x1e: {  	[tilespmem:s15], [sflag:$0x1] =	stream.linear.gather [hbm4b:s4+s24], $0x10, $0x38;
	[tilespmem:$0xA880] =	vst v63  }
0x1f: {  	_ =	swait.ge [sflag:s14], $0x10  }
0x20: {  	[sflag:s14] =	ssyncset.done $0x0  }
0x21: {  	[sflag:s14] =	ssyncadd.s32 $0xFFFFFFF0  }
0x22: {  	s26 =	simm.s32 $0x40;
	s25 =	simm.s32 $0x0;
	v2 =	vld [tilespmem:$0xA000]  }
.LBB2_4:
0x23: {  	p0 =	sne.s32 s26, $0x400;
	[tilespmem:s25+$0xA680] =	vst v1;
	s28 =	smov.u32 s26;
	s26 =	sadd.s32 $0x40, s26  }
.Ltmp1:
0x24: {  	[tilespmem:s25+$0xA500] =	vst v0;
	(pc) =	sbr.rel @p0 .LBB2_4-.Ltmp1, $4  }
0x25: {  	[tilespmem:s25+$0xA380] =	vst v0  }
0x26: {  	[tilespmem:s25+$0xA080] =	vst v0  }
0x27: {  	[tilespmem:s25+$0xA200] =	vst v0  }
0x28: {  	s25 =	sshra.s32 s28, $0x2  }
0x29: {  	[tilespmem:s25+$0xA680] =	vst v1  }
0x2a: {  	[tilespmem:s25+$0xA500] =	vst v0  }
0x2b: {  	[tilespmem:s25+$0xA380] =	vst v0  }
0x2c: {  	[tilespmem:s25+$0xA080] =	vst v0;
	s26 =	sand.u32 $0x70, s24;
	s28 =	sand.u32 $0xFC00, s24  }
0x2d: {  	[tilespmem:s25+$0xA200] =	vst v0;
	s25 =	sor.u32 s26, s28  }
0x2e: {  	v3 =	vld [tilespmem:s25+$0x280]  }
0x2f: {  	p0 =	por $0x0, $0x0;
	v5 =	vld [tilespmem:s25+$0x300]  }
0x30: {  	v6 =	vld @!p0 [tilespmem:s25+$0x100]  }
0x31: {  	v4 =	vld [tilespmem:s25+$0x200]  }
0x32: {  	v8 =	vld @!p0 [tilespmem:s25+$0x0];
	_ =	sdelay $0x2  }
0x33: {  	v3 =	vmax.f32 v3, v5;
	v5 =	vmul.f32 @!p0 $5.000000000e-01, v6  }
0x34: {  	v3 =	vmul.f32 v3, v4  }
0x35: {  	v6 =	vsub.f32 @!p0 v8, v5  }
0x36: {  	v7 =	vld @!p0 [tilespmem:s25+$0x180];
	vm1 =	vge.f32 v3, v2;
	vm0 =	vge.f32 @!p0 v3, v2  }
0x37: {  	v9 =	vld @!p0 [tilespmem:s25+$0x80];
	[tilespmem:s24+$0xA080] =	vst.msk @!p0 vm0, v6;
	v6 =	vmpcnt.ones.xlane vm1;
	_ =	sdelay $0x1  }
0x38: {  	(v2sf) =	vpush v6, $0x0;
	_ =	sdelay $0x1  }
0x39: {  	v4 =	vmul.f32 @!p0 $5.000000000e-01, v7;
	_ =	sdelay $0x1  }
0x3a: {  	v7 =	vsub.f32 @!p0 v9, v4  }
0x3b: {  	v5 =	vadd.f32 @!p0 v8, v5  }
0x3c: {  	v4 =	vadd.f32 @!p0 v9, v4;
	[tilespmem:s24+$0xA200] =	vst.msk @!p0 vm0, v7  }
0x3d: {  	s26 =	simm.s32 $0x80;
	s25 =	simm.s32 $0x10;
	[tilespmem:s24+$0xA380] =	vst.msk @!p0 vm0, v5  }
.LBB2_6:
0x3e: {  	s28 =	sand.u32 $0x70, s25;
	s29 =	sand.u32 $0xFC00, s26;
	[tilespmem:s24+$0xA500] =	vst.msk @!p0 vm0, v4  }
0x3f: {  	s28 =	sor.u32 s28, s29;
	[tilespmem:s24+$0xA680] =	vst.msk @!p0 vm0, v3  }
0x40: {  	s25 =	sadd.s32 $0x10, s25;
	v3 =	vld [tilespmem:s28+$0x280]  }
0x41: {  	p1 =	sne.s32 s25, $0x1400;
	v4 =	vld [tilespmem:s28+$0x200]  }
0x42: {  	v5 =	vld [tilespmem:s28+$0x300];
	_ =	sdelay $0x2  }
0x43: {  	s29 =	spop (v2sf)  }
0x44: {  	s24 =	sadd.s32 s24, s29  }
0x45: {  	v3 =	vmax.f32 v3, v5;
	p0 =	sgt.s32 s24, $0x100  }
0x46: {  	v3 =	vmul.f32 v3, v4;
	v4 =	vld @!p0 [tilespmem:s28+$0x180]  }
0x47: {  	v5 =	vld @!p0 [tilespmem:s28+$0x100]  }
0x48: {  	vm1 =	vge.f32 v3, v2;
	vm0 =	vge.f32 @!p0 v3, v2;
	v6 =	vld @!p0 [tilespmem:s28+$0x80]  }
0x49: {  	v7 =	vmpcnt.ones.xlane vm1;
	v8 =	vld @!p0 [tilespmem:s28+$0x0];
	_ =	sdelay $0x1  }
0x4a: {  	v4 =	vmul.f32 @!p0 $5.000000000e-01, v4;
	(v2sf) =	vpush v7, $0x0  }
0x4b: {  	v5 =	vmul.f32 @!p0 $5.000000000e-01, v5  }
0x4c: {  	v7 =	vsub.f32 @!p0 v6, v4;
	v4 =	vadd.f32 @!p0 v6, v4  }
.Ltmp2:
0x4d: {  	v6 =	vsub.f32 @!p0 v8, v5;
	v5 =	vadd.f32 @!p0 v8, v5;
	(pc) =	sbr.rel @p1 .LBB2_6-.Ltmp2, $4  }
0x4e: {  	_ = 	snop  }
0x4f: {  	[tilespmem:s24+$0xA080] =	vst.msk @!p0 vm0, v6  }
0x50: {  	[tilespmem:s24+$0xA200] =	vst.msk @!p0 vm0, v7  }
0x51: {  	s26 =	sadd.s32 $0x80, s26;
	[tilespmem:s24+$0xA380] =	vst.msk @!p0 vm0, v5  }
0x52: {  	_ =	sdelay $0x6  }
0x53: {  	s25 =	spop (v2sf)  }
0x54: {  	[tilespmem:s24+$0xA500] =	vst.msk @!p0 vm0, v4;
	s25 =	sadd.s32 s24, s25  }
0x55: {  	[tilespmem:s24+$0xA680] =	vst.msk @!p0 vm0, v3;
	v2 =	vmov s25  }
0x56: {  	[tilespmem:$0xA800] =	vst v2  }
0x57: {  	[hbm4b:s5+s12] =	stream.strided.scatter [tilespmem:s17], [sflag:$0x1], $0x100, s16, s12, $0x38;
	[tilespmem:$0xA880] =	vst v63  }
0x58: {  	_ =	swait.ge [sflag:s14], $0x100  }
0x59: {  	[sflag:s14] =	ssyncset.done $0x0  }
0x5a: {  	[sflag:s14] =	ssyncadd.s32 $0xFFFFFF00  }
0x5b: {  	[hbm4b:s6+s12] =	stream.strided.scatter [tilespmem:s18], [sflag:$0x1], $0x100, s16, s12, $0x38;
	[tilespmem:$0xA880] =	vst v63  }
0x5c: {  	_ =	swait.ge [sflag:s14], $0x100  }
0x5d: {  	[sflag:s14] =	ssyncset.done $0x0  }
0x5e: {  	[sflag:s14] =	ssyncadd.s32 $0xFFFFFF00  }
0x5f: {  	[hbm4b:s7+s12] =	stream.strided.scatter [tilespmem:s19], [sflag:$0x1], $0x100, s16, s12, $0x38;
	[tilespmem:$0xA880] =	vst v63  }
0x60: {  	_ =	swait.ge [sflag:s14], $0x100  }
0x61: {  	[sflag:s14] =	ssyncset.done $0x0  }
0x62: {  	[sflag:s14] =	ssyncadd.s32 $0xFFFFFF00  }
0x63: {  	[hbm4b:s8+s12] =	stream.strided.scatter [tilespmem:s20], [sflag:$0x1], $0x100, s16, s12, $0x38;
	[tilespmem:$0xA880] =	vst v63  }
0x64: {  	_ =	swait.ge [sflag:s14], $0x100  }
0x65: {  	[sflag:s14] =	ssyncset.done $0x0  }
0x66: {  	[sflag:s14] =	ssyncadd.s32 $0xFFFFFF00  }
0x67: {  	[hbm4b:s9+s12] =	stream.strided.scatter [tilespmem:s21], [sflag:$0x1], $0x100, s16, s12, $0x38;
	[tilespmem:$0xA880] =	vst v63  }
0x68: {  	s23 =	sadd.s32 $0x1, s23;
	_ =	swait.ge [sflag:s14], $0x100  }
0x69: {  	p0 =	sne.s32 s23, s11;
	[sflag:s14] =	ssyncset.done $0x0  }
.Ltmp3:
0x6a: {  	[sflag:s14] =	ssyncadd.s32 $0xFFFFFF00;
	(pc) =	sbr.rel @p0 .LBB2_1-.Ltmp3, $4  }
0x6b: {  	[hbm4b:s10+s2] =	stream.linear.scatter [tilespmem:s22], [sflag:$0x1], $0x10, $0x38;
	[tilespmem:$0xA880] =	vst v63  }
0x6c: {  	_ =	swait.ge [sflag:s14], $0x10  }
0x6d: {  	[sflag:s14] =	ssyncset.done $0x0  }
0x6e: {  	[sflag:s14] =	ssyncadd.s32 $0xFFFFFFF0  }
0x6f: {  	_ =	sfence.sel $0x180000  }
0x70: {  	[bflag:$0x0] =	sbarrier.arrive $0xFFFF  }
0x71: {  	p0 =	sne.s32 s0, $0x0;
	_ =	strace $0x90000047  }
0x72: {  	s0 =	sadd.s32 @!p0 $0x100000, s1;
	[bflag:$0x2] =	sbarrier.arrive $0xFFFF  }
0x73: {  	[sflag:s0] =	ssyncadd.tile.s32 @!p0 $0x1;
	_ =	shalt  }
.Lfunc_end2:
_tile_overlayer_lowered:
.L_overlay_start_2:
0x74: {  	(tag) =	ssettag $0x2  }
0x75: {  	s0 =	rddreg [dreg:$0x0];
	s2 =	stileid.u32  }
0x76: {  	s1 =	rddreg [dreg:$0x1];
	p0 =	sne.s32 s2, $0x0  }
0x77: {  	s3 =	rddreg [dreg:$0x2];
	[bflag:$0x3] =	sbarrier.arrive $0xFFFF;
	s2 =	simm.s32 @!p0 $0x1C01  }
0x78: {  	[timem:s3], [sflag:s2] =	dma.local @!p0 [hbm:s0], s1  }
0x79: {  	s0 =	simm.s32 @!p0 $0x1  }
0x7a: {  	_ =	swait.ge @!p0 [sflag:s0], s1  }
0x7b: {  	s1 =	ssub.s32 @!p0 $0x0, s1;
	[sflag:s0] =	ssyncset.done @!p0 $0x0  }
0x7c: {  	[sflag:s0] =	ssyncadd.s32 @!p0 s1  }
0x7d: {  	[bflag:$0x3] =	sbarrier.arrive $0xFFFF  }
0x7e: {  	_ =	shalt  }

</sc_bundles>
